<compile_context>
chip_gen: v7x
topology: tpu7x:2x2x1
jax: 0.10.2.dev20260603
libtpu: 0.0.44.dev20260713+nightly
codegen_flags: <defaults>
</compile_context>

<pallas_src>
import functools
import numpy as np
import jax
import jax.numpy as jnp
from jax import lax
from jax.experimental import pallas as pl
from jax.experimental.pallas import tpu as pltpu
from jax.experimental.pallas import tpu_sc as plsc

N_BINS = 15
_BOUNDS = [float(v) for v in np.linspace(0.0, 1.0, N_BINS + 1).astype(np.float32)[:-1]]

_SC_WORKERS = 16
_LANES = 16



def _tc_body(logits_ref, labels_ref, conf_ref, acc_ref):
    x = logits_ref[...]
    lab = labels_ref[0]
    col = lax.broadcasted_iota(jnp.int32, x.shape, 1)
    s = jnp.sum(jnp.exp(x), axis=1, keepdims=True)
    m = jnp.max(x, axis=1, keepdims=True)
    t = jnp.max(jnp.where(col == lab, x, -1e30), axis=1, keepdims=True)
    conf_ref[...] = jnp.exp(m) / s
    acc_ref[...] = (t == m).astype(jnp.float32)


def _pick_block_rows(n_rows):
    for r in (1000, 800, 500, 400, 250, 200, 125, 100, 50, 25, 10, 8):
        if n_rows % r == 0:
            return r
    return n_rows



def _sc_body(conf_hbm, acc_hbm, out_hbm, cbuf, abuf, hcnt, hconf, hacc,
             pbuf, shared, obuf, *, per_w, n_rows):
    sid = lax.axis_index("s")
    base = sid * per_w

    pltpu.sync_copy(conf_hbm.at[pl.ds(base, per_w)], cbuf)
    pltpu.sync_copy(acc_hbm.at[pl.ds(base, per_w)], abuf)

    zeros = jnp.zeros((_LANES,), jnp.float32)
    for r in range(_LANES):
        hcnt[r, :] = zeros
        hconf[r, :] = zeros
        hacc[r, :] = zeros

    lane = lax.iota(jnp.int32, _LANES)
    ones = jnp.ones((_LANES,), jnp.float32)

    def step(i, carry):
        c = cbuf[pl.ds(i * _LANES, _LANES)]
        a = abuf[pl.ds(i * _LANES, _LANES)]
        k = jnp.zeros((_LANES,), jnp.float32)
        for b in _BOUNDS:
            k = k + jnp.where(c > jnp.full((_LANES,), b, jnp.float32), 1.0, 0.0)
        valid = k > 0.5
        bin_idx = jnp.maximum(k - 1.0, 0.0).astype(jnp.int32)
        plsc.addupdate_scatter(hcnt, [lane, bin_idx], ones, mask=valid)
        plsc.addupdate_scatter(hconf, [lane, bin_idx], c, mask=valid)
        plsc.addupdate_scatter(hacc, [lane, bin_idx], a, mask=valid)
        return carry

    lax.fori_loop(0, per_w // _LANES, step, 0)

    ct = jnp.zeros((_LANES,), jnp.float32)
    cf = jnp.zeros((_LANES,), jnp.float32)
    ac = jnp.zeros((_LANES,), jnp.float32)
    for r in range(_LANES):
        ct = ct + hcnt[r, :]
        cf = cf + hconf[r, :]
        ac = ac + hacc[r, :]
    pbuf[pl.ds(0, _LANES)] = ct
    pbuf[pl.ds(_LANES, _LANES)] = cf
    pbuf[pl.ds(2 * _LANES, _LANES)] = ac

    pltpu.sync_copy(pbuf, shared.at[sid])
    plsc.subcore_barrier()

    @pl.when(sid == 0)
    def _merge():
        cnt = jnp.zeros((_LANES,), jnp.float32)
        csum = jnp.zeros((_LANES,), jnp.float32)
        asum = jnp.zeros((_LANES,), jnp.float32)
        for w in range(_SC_WORKERS):
            pltpu.sync_copy(shared.at[w], pbuf)
            cnt = cnt + pbuf[pl.ds(0, _LANES)]
            csum = csum + pbuf[pl.ds(_LANES, _LANES)]
            asum = asum + pbuf[pl.ds(2 * _LANES, _LANES)]
        safe = jnp.maximum(cnt, jnp.full((_LANES,), 1.0, jnp.float32))
        contrib = jnp.abs(csum / safe - asum / safe) * (cnt * (1.0 / n_rows))
        contrib = jnp.where(cnt > jnp.zeros((_LANES,), jnp.float32), contrib,
                            jnp.zeros((_LANES,), jnp.float32))
        ece = jnp.sum(contrib)
        obuf[...] = jnp.where(lane == 0, ece, 0.0)
        pltpu.sync_copy(obuf, out_hbm)


def kernel(logits, labels):
    n_rows, n_classes = logits.shape
    block_rows = _pick_block_rows(n_rows)
    grid = n_rows // block_rows
    labels3 = labels.astype(jnp.int32).reshape(grid, block_rows, 1)

    conf, acc = pl.pallas_call(
        _tc_body,
        grid=(grid,),
        in_specs=[
            pl.BlockSpec((block_rows, n_classes), lambda i: (i, 0)),
            pl.BlockSpec((1, block_rows, 1), lambda i: (i, 0, 0)),
        ],
        out_specs=[
            pl.BlockSpec((block_rows, 1), lambda i: (i, 0)),
            pl.BlockSpec((block_rows, 1), lambda i: (i, 0)),
        ],
        out_shape=[
            jax.ShapeDtypeStruct((n_rows, 1), jnp.float32),
            jax.ShapeDtypeStruct((n_rows, 1), jnp.float32),
        ],
    )(logits, labels3)

    chunk = _SC_WORKERS * _LANES
    n_pad = ((n_rows + chunk - 1) // chunk) * chunk
    per_w = n_pad // _SC_WORKERS
    conf_flat = jnp.concatenate(
        [conf.reshape(-1), jnp.full((n_pad - n_rows,), -1.0, jnp.float32)])
    acc_flat = jnp.concatenate(
        [acc.reshape(-1), jnp.zeros((n_pad - n_rows,), jnp.float32)])

    sc_body = functools.partial(_sc_body, per_w=per_w, n_rows=n_rows)
    out = pl.kernel(
        sc_body,
        out_type=jax.ShapeDtypeStruct((_LANES,), jnp.float32),
        mesh=plsc.VectorSubcoreMesh(
            core_axis_name="c", subcore_axis_name="s", num_cores=1),
        compiler_params=pltpu.CompilerParams(needs_layout_passes=False),
        scratch_types=[
            pltpu.VMEM((per_w,), jnp.float32),
            pltpu.VMEM((per_w,), jnp.float32),
            pltpu.VMEM((_LANES, _LANES), jnp.float32),
            pltpu.VMEM((_LANES, _LANES), jnp.float32),
            pltpu.VMEM((_LANES, _LANES), jnp.float32),
            pltpu.VMEM((3 * _LANES,), jnp.float32),
            pltpu.VMEM_SHARED((_SC_WORKERS, 3 * _LANES), jnp.float32),
            pltpu.VMEM((_LANES,), jnp.float32),
        ],
    )(conf_flat, acc_flat)
    return out[0:1]

# --- scband reference (transcript-rebuilt; emitter-appended) ---
"""Pipeline reference for scband-eceloss-6459630813868 (READ-ONLY COPY).

The authoritative reference and input builder live on the scoring server;
editing this copy changes nothing except your own understanding.
"""

import jax, jax.numpy as jnp
import numpy as np

N_BINS = 15

def setup_inputs(seed: int = 0) -> dict:
    key = jax.random.key(seed)
    k1, k2 = jax.random.split(key)
    logits = jax.random.normal(k1, (100000, 1000), dtype=jnp.float32)
    labels = jax.random.randint(k2, (100000,), 0, 1000)
    return {"logits": logits, "labels": labels}

def reference(logits, labels):
    # is_prob=False path: softmax over classes, take max confidence + argmax prediction
    softmaxes = jax.nn.softmax(logits, axis=1)
    confidences = jnp.max(softmaxes, axis=1)
    predictions = jnp.argmax(softmaxes, axis=1)
    accuracies = (predictions == labels).astype(jnp.float32)

    bin_boundaries = jnp.linspace(0.0, 1.0, N_BINS + 1)
    bin_lowers = bin_boundaries[:-1]
    bin_uppers = bin_boundaries[1:]

    n = confidences.shape[0]
    ece = jnp.zeros(1, dtype=logits.dtype)
    for i in range(N_BINS):
        in_bin = (confidences > bin_lowers[i]) & (confidences <= bin_uppers[i])
        in_binf = in_bin.astype(jnp.float32)
        cnt = jnp.sum(in_binf)
        prop_in_bin = cnt / n
        safe_cnt = jnp.maximum(cnt, 1.0)
        accuracy_in_bin = jnp.sum(accuracies * in_binf) / safe_cnt
        avg_confidence_in_bin = jnp.sum(confidences * in_binf) / safe_cnt
        contrib = jnp.abs(avg_confidence_in_bin - accuracy_in_bin) * prop_in_bin
        # mirrors the `if prop_in_bin.item() > 0` guard
        ece = ece + jnp.where(cnt > 0, contrib, jnp.zeros_like(contrib))
    return ece

if __name__ == "__main__":
    import jax
    _d = setup_inputs()
    print(jax.jit(kernel)(*tuple(_d.values())))

</pallas_src>

<mosaic_0001>
#map = affine_map<(d0, d1) -> (0)>
module attributes {stable_mosaic.version = 14 : i64} {
  func.func @_sc_body(%arg0: i32, %arg1: i32, %arg2: memref<100096xf32, #tpu.memory_space<hbm>>, %arg3: memref<100096xf32, #tpu.memory_space<hbm>>, %arg4: memref<16xf32, #tpu.memory_space<hbm>>, %arg5: memref<6256xf32, #tpu.memory_space<vmem>>, %arg6: memref<6256xf32, #tpu.memory_space<vmem>>, %arg7: memref<16x16xf32, #tpu.memory_space<vmem>>, %arg8: memref<16x16xf32, #tpu.memory_space<vmem>>, %arg9: memref<16x16xf32, #tpu.memory_space<vmem>>, %arg10: memref<48xf32, #tpu.memory_space<vmem>>, %arg11: memref<16x48xf32, #tpu.memory_space<vmem_shared>>, %arg12: memref<16xf32, #tpu.memory_space<vmem>>) attributes {dimension_semantics = [#tpu.dimension_semantics<core_parallel>, #tpu.dimension_semantics<subcore_parallel>], iteration_bounds = array<i64: 1, 16>, scalar_prefetch = 0 : i64, scratch_operands = 8 : i64, tpu.core_type = #tpu.core_type<sc_vector_subcore>, window_params = [{transform_indices = #map}, {transform_indices = #map}, {transform_indices = #map}]} {
    %mul3A = arith.constant 6256 : i32
    %mul3A_0 = arith.muli %arg1, %mul3A : i32
    "tpu.region"() ({
      %run_scoped3A = tpu.sem_alloc : memref<!tpu.dma_semaphore, #tpu.memory_space<semaphore_mem>>
      %dma_start3A = tpu.memref_slice %arg2[%mul3A_0] : memref<100096xf32, #tpu.memory_space<hbm>> -> memref<6256xf32, #tpu.memory_space<hbm>>
      %dma_start3A_452 = tpu.memref_slice %arg2[%mul3A_0] : memref<100096xf32, #tpu.memory_space<hbm>> -> memref<6256xf32, #tpu.memory_space<hbm>>
      tpu.enqueue_dma source(%dma_start3A_452 : memref<6256xf32, #tpu.memory_space<hbm>>) target(%arg5 : memref<6256xf32, #tpu.memory_space<vmem>>) target_semaphore(%run_scoped3A : memref<!tpu.dma_semaphore, #tpu.memory_space<semaphore_mem>>)
      %dma_wait3A = tpu.memref_slice %arg2[%mul3A_0] : memref<100096xf32, #tpu.memory_space<hbm>> -> memref<6256xf32, #tpu.memory_space<hbm>>
      %dma_wait3A_453 = tpu.memref_slice %arg2[%mul3A_0] : memref<100096xf32, #tpu.memory_space<hbm>> -> memref<6256xf32, #tpu.memory_space<hbm>>
      tpu.wait_dma2 semaphore(%run_scoped3A : memref<!tpu.dma_semaphore, #tpu.memory_space<semaphore_mem>>) src(%dma_wait3A_453 : memref<6256xf32, #tpu.memory_space<hbm>>) dst(%arg5 : memref<6256xf32, #tpu.memory_space<vmem>>)
      tpu.yield
    }) : () -> ()
    "tpu.region"() ({
      %run_scoped3A = tpu.sem_alloc : memref<!tpu.dma_semaphore, #tpu.memory_space<semaphore_mem>>
      %dma_start3A = tpu.memref_slice %arg3[%mul3A_0] : memref<100096xf32, #tpu.memory_space<hbm>> -> memref<6256xf32, #tpu.memory_space<hbm>>
      %dma_start3A_452 = tpu.memref_slice %arg3[%mul3A_0] : memref<100096xf32, #tpu.memory_space<hbm>> -> memref<6256xf32, #tpu.memory_space<hbm>>
      tpu.enqueue_dma source(%dma_start3A_452 : memref<6256xf32, #tpu.memory_space<hbm>>) target(%arg6 : memref<6256xf32, #tpu.memory_space<vmem>>) target_semaphore(%run_scoped3A : memref<!tpu.dma_semaphore, #tpu.memory_space<semaphore_mem>>)
      %dma_wait3A = tpu.memref_slice %arg3[%mul3A_0] : memref<100096xf32, #tpu.memory_space<hbm>> -> memref<6256xf32, #tpu.memory_space<hbm>>
      %dma_wait3A_453 = tpu.memref_slice %arg3[%mul3A_0] : memref<100096xf32, #tpu.memory_space<hbm>> -> memref<6256xf32, #tpu.memory_space<hbm>>
      tpu.wait_dma2 semaphore(%run_scoped3A : memref<!tpu.dma_semaphore, #tpu.memory_space<semaphore_mem>>) src(%dma_wait3A_453 : memref<6256xf32, #tpu.memory_space<hbm>>) dst(%arg6 : memref<6256xf32, #tpu.memory_space<vmem>>)
      tpu.yield
    }) : () -> ()
    %broadcast_in_dim3A = arith.constant 0.000000e+00 : f32
    %broadcast_in_dim3A_1 = vector.broadcast %broadcast_in_dim3A : f32 to vector<16xf32>
    %swap3A = arith.constant 0 : i32
    %swap3A_2 = arith.index_cast %swap3A : i32 to index
    %swap3A_3 = arith.constant 0 : index
    %swap3A_4 = tpu.vector_load %arg7[%swap3A_2, %swap3A_3] {strides = array<i32>} : memref<16x16xf32, #tpu.memory_space<vmem>>, vector<16xf32>,
    tpu.vector_store %arg7[%swap3A_2, %swap3A_3], %broadcast_in_dim3A_1 {strides = array<i32>} : memref<16x16xf32, #tpu.memory_space<vmem>>, vector<16xf32>,
    %swap3A_5 = arith.constant 0 : i32
    %swap3A_6 = arith.index_cast %swap3A_5 : i32 to index
    %swap3A_7 = arith.constant 0 : index
    %swap3A_8 = tpu.vector_load %arg8[%swap3A_6, %swap3A_7] {strides = array<i32>} : memref<16x16xf32, #tpu.memory_space<vmem>>, vector<16xf32>,
    tpu.vector_store %arg8[%swap3A_6, %swap3A_7], %broadcast_in_dim3A_1 {strides = array<i32>} : memref<16x16xf32, #tpu.memory_space<vmem>>, vector<16xf32>,
    %swap3A_9 = arith.constant 0 : i32
    %swap3A_10 = arith.index_cast %swap3A_9 : i32 to index
    %swap3A_11 = arith.constant 0 : index
    %swap3A_12 = tpu.vector_load %arg9[%swap3A_10, %swap3A_11] {strides = array<i32>} : memref<16x16xf32, #tpu.memory_space<vmem>>, vector<16xf32>,
    tpu.vector_store %arg9[%swap3A_10, %swap3A_11], %broadcast_in_dim3A_1 {strides = array<i32>} : memref<16x16xf32, #tpu.memory_space<vmem>>, vector<16xf32>,
    %swap3A_13 = arith.constant 1 : i32
    %swap3A_14 = arith.index_cast %swap3A_13 : i32 to index
    %swap3A_15 = arith.constant 0 : index
    %swap3A_16 = tpu.vector_load %arg7[%swap3A_14, %swap3A_15] {strides = array<i32>} : memref<16x16xf32, #tpu.memory_space<vmem>>, vector<16xf32>,
    tpu.vector_store %arg7[%swap3A_14, %swap3A_15], %broadcast_in_dim3A_1 {strides = array<i32>} : memref<16x16xf32, #tpu.memory_space<vmem>>, vector<16xf32>,
    %swap3A_17 = arith.constant 1 : i32
    %swap3A_18 = arith.index_cast %swap3A_17 : i32 to index
    %swap3A_19 = arith.constant 0 : index
    %swap3A_20 = tpu.vector_load %arg8[%swap3A_18, %swap3A_19] {strides = array<i32>} : memref<16x16xf32, #tpu.memory_space<vmem>>, vector<16xf32>,
    tpu.vector_store %arg8[%swap3A_18, %swap3A_19], %broadcast_in_dim3A_1 {strides = array<i32>} : memref<16x16xf32, #tpu.memory_space<vmem>>, vector<16xf32>,
    %swap3A_21 = arith.constant 1 : i32
    %swap3A_22 = arith.index_cast %swap3A_21 : i32 to index
    %swap3A_23 = arith.constant 0 : index
    %swap3A_24 = tpu.vector_load %arg9[%swap3A_22, %swap3A_23] {strides = array<i32>} : memref<16x16xf32, #tpu.memory_space<vmem>>, vector<16xf32>,
    tpu.vector_store %arg9[%swap3A_22, %swap3A_23], %broadcast_in_dim3A_1 {strides = array<i32>} : memref<16x16xf32, #tpu.memory_space<vmem>>, vector<16xf32>,
    %swap3A_25 = arith.constant 2 : i32
    %swap3A_26 = arith.index_cast %swap3A_25 : i32 to index
    %swap3A_27 = arith.constant 0 : index
    %swap3A_28 = tpu.vector_load %arg7[%swap3A_26, %swap3A_27] {strides = array<i32>} : memref<16x16xf32, #tpu.memory_space<vmem>>, vector<16xf32>,
    tpu.vector_store %arg7[%swap3A_26, %swap3A_27], %broadcast_in_dim3A_1 {strides = array<i32>} : memref<16x16xf32, #tpu.memory_space<vmem>>, vector<16xf32>,
    %swap3A_29 = arith.constant 2 : i32
    %swap3A_30 = arith.index_cast %swap3A_29 : i32 to index
    %swap3A_31 = arith.constant 0 : index
    %swap3A_32 = tpu.vector_load %arg8[%swap3A_30, %swap3A_31] {strides = array<i32>} : memref<16x16xf32, #tpu.memory_space<vmem>>, vector<16xf32>,
    tpu.vector_store %arg8[%swap3A_30, %swap3A_31], %broadcast_in_dim3A_1 {strides = array<i32>} : memref<16x16xf32, #tpu.memory_space<vmem>>, vector<16xf32>,
    %swap3A_33 = arith.constant 2 : i32
    %swap3A_34 = arith.index_cast %swap3A_33 : i32 to index
    %swap3A_35 = arith.constant 0 : index
    %swap3A_36 = tpu.vector_load %arg9[%swap3A_34, %swap3A_35] {strides = array<i32>} : memref<16x16xf32, #tpu.memory_space<vmem>>, vector<16xf32>,
    tpu.vector_store %arg9[%swap3A_34, %swap3A_35], %broadcast_in_dim3A_1 {strides = array<i32>} : memref<16x16xf32, #tpu.memory_space<vmem>>, vector<16xf32>,
    %swap3A_37 = arith.constant 3 : i32
    %swap3A_38 = arith.index_cast %swap3A_37 : i32 to index
    %swap3A_39 = arith.constant 0 : index
    %swap3A_40 = tpu.vector_load %arg7[%swap3A_38, %swap3A_39] {strides = array<i32>} : memref<16x16xf32, #tpu.memory_space<vmem>>, vector<16xf32>,
    tpu.vector_store %arg7[%swap3A_38, %swap3A_39], %broadcast_in_dim3A_1 {strides = array<i32>} : memref<16x16xf32, #tpu.memory_space<vmem>>, vector<16xf32>,
    %swap3A_41 = arith.constant 3 : i32
    %swap3A_42 = arith.index_cast %swap3A_41 : i32 to index
    %swap3A_43 = arith.constant 0 : index
    %swap3A_44 = tpu.vector_load %arg8[%swap3A_42, %swap3A_43] {strides = array<i32>} : memref<16x16xf32, #tpu.memory_space<vmem>>, vector<16xf32>,
    tpu.vector_store %arg8[%swap3A_42, %swap3A_43], %broadcast_in_dim3A_1 {strides = array<i32>} : memref<16x16xf32, #tpu.memory_space<vmem>>, vector<16xf32>,
    %swap3A_45 = arith.constant 3 : i32
    %swap3A_46 = arith.index_cast %swap3A_45 : i32 to index
    %swap3A_47 = arith.constant 0 : index
    %swap3A_48 = tpu.vector_load %arg9[%swap3A_46, %swap3A_47] {strides = array<i32>} : memref<16x16xf32, #tpu.memory_space<vmem>>, vector<16xf32>,
    tpu.vector_store %arg9[%swap3A_46, %swap3A_47], %broadcast_in_dim3A_1 {strides = array<i32>} : memref<16x16xf32, #tpu.memory_space<vmem>>, vector<16xf32>,
    %swap3A_49 = arith.constant 4 : i32
    %swap3A_50 = arith.index_cast %swap3A_49 : i32 to index
    %swap3A_51 = arith.constant 0 : index
    %swap3A_52 = tpu.vector_load %arg7[%swap3A_50, %swap3A_51] {strides = array<i32>} : memref<16x16xf32, #tpu.memory_space<vmem>>, vector<16xf32>,
    tpu.vector_store %arg7[%swap3A_50, %swap3A_51], %broadcast_in_dim3A_1 {strides = array<i32>} : memref<16x16xf32, #tpu.memory_space<vmem>>, vector<16xf32>,
    %swap3A_53 = arith.constant 4 : i32
    %swap3A_54 = arith.index_cast %swap3A_53 : i32 to index
    %swap3A_55 = arith.constant 0 : index
    %swap3A_56 = tpu.vector_load %arg8[%swap3A_54, %swap3A_55] {strides = array<i32>} : memref<16x16xf32, #tpu.memory_space<vmem>>, vector<16xf32>,
    tpu.vector_store %arg8[%swap3A_54, %swap3A_55], %broadcast_in_dim3A_1 {strides = array<i32>} : memref<16x16xf32, #tpu.memory_space<vmem>>, vector<16xf32>,
    %swap3A_57 = arith.constant 4 : i32
    %swap3A_58 = arith.index_cast %swap3A_57 : i32 to index
    %swap3A_59 = arith.constant 0 : index
    %swap3A_60 = tpu.vector_load %arg9[%swap3A_58, %swap3A_59] {strides = array<i32>} : memref<16x16xf32, #tpu.memory_space<vmem>>, vector<16xf32>,
    tpu.vector_store %arg9[%swap3A_58, %swap3A_59], %broadcast_in_dim3A_1 {strides = array<i32>} : memref<16x16xf32, #tpu.memory_space<vmem>>, vector<16xf32>,
    %swap3A_61 = arith.constant 5 : i32
    %swap3A_62 = arith.index_cast %swap3A_61 : i32 to index
    %swap3A_63 = arith.constant 0 : index
    %swap3A_64 = tpu.vector_load %arg7[%swap3A_62, %swap3A_63] {strides = array<i32>} : memref<16x16xf32, #tpu.memory_space<vmem>>, vector<16xf32>,
    tpu.vector_store %arg7[%swap3A_62, %swap3A_63], %broadcast_in_dim3A_1 {strides = array<i32>} : memref<16x16xf32, #tpu.memory_space<vmem>>, vector<16xf32>,
    %swap3A_65 = arith.constant 5 : i32
    %swap3A_66 = arith.index_cast %swap3A_65 : i32 to index
    %swap3A_67 = arith.constant 0 : index
    %swap3A_68 = tpu.vector_load %arg8[%swap3A_66, %swap3A_67] {strides = array<i32>} : memref<16x16xf32, #tpu.memory_space<vmem>>, vector<16xf32>,
    tpu.vector_store %arg8[%swap3A_66, %swap3A_67], %broadcast_in_dim3A_1 {strides = array<i32>} : memref<16x16xf32, #tpu.memory_space<vmem>>, vector<16xf32>,
    %swap3A_69 = arith.constant 5 : i32
    %swap3A_70 = arith.index_cast %swap3A_69 : i32 to index
    %swap3A_71 = arith.constant 0 : index
    %swap3A_72 = tpu.vector_load %arg9[%swap3A_70, %swap3A_71] {strides = array<i32>} : memref<16x16xf32, #tpu.memory_space<vmem>>, vector<16xf32>,
    tpu.vector_store %arg9[%swap3A_70, %swap3A_71], %broadcast_in_dim3A_1 {strides = array<i32>} : memref<16x16xf32, #tpu.memory_space<vmem>>, vector<16xf32>,
    %swap3A_73 = arith.constant 6 : i32
    %swap3A_74 = arith.index_cast %swap3A_73 : i32 to index
    %swap3A_75 = arith.constant 0 : index
    %swap3A_76 = tpu.vector_load %arg7[%swap3A_74, %swap3A_75] {strides = array<i32>} : memref<16x16xf32, #tpu.memory_space<vmem>>, vector<16xf32>,
    tpu.vector_store %arg7[%swap3A_74, %swap3A_75], %broadcast_in_dim3A_1 {strides = array<i32>} : memref<16x16xf32, #tpu.memory_space<vmem>>, vector<16xf32>,
    %swap3A_77 = arith.constant 6 : i32
    %swap3A_78 = arith.index_cast %swap3A_77 : i32 to index
    %swap3A_79 = arith.constant 0 : index
    %swap3A_80 = tpu.vector_load %arg8[%swap3A_78, %swap3A_79] {strides = array<i32>} : memref<16x16xf32, #tpu.memory_space<vmem>>, vector<16xf32>,
    tpu.vector_store %arg8[%swap3A_78, %swap3A_79], %broadcast_in_dim3A_1 {strides = array<i32>} : memref<16x16xf32, #tpu.memory_space<vmem>>, vector<16xf32>,
    %swap3A_81 = arith.constant 6 : i32
    %swap3A_82 = arith.index_cast %swap3A_81 : i32 to index
    %swap3A_83 = arith.constant 0 : index
    %swap3A_84 = tpu.vector_load %arg9[%swap3A_82, %swap3A_83] {strides = array<i32>} : memref<16x16xf32, #tpu.memory_space<vmem>>, vector<16xf32>,
    tpu.vector_store %arg9[%swap3A_82, %swap3A_83], %broadcast_in_dim3A_1 {strides = array<i32>} : memref<16x16xf32, #tpu.memory_space<vmem>>, vector<16xf32>,
    %swap3A_85 = arith.constant 7 : i32
    %swap3A_86 = arith.index_cast %swap3A_85 : i32 to index
    %swap3A_87 = arith.constant 0 : index
    %swap3A_88 = tpu.vector_load %arg7[%swap3A_86, %swap3A_87] {strides = array<i32>} : memref<16x16xf32, #tpu.memory_space<vmem>>, vector<16xf32>,
    tpu.vector_store %arg7[%swap3A_86, %swap3A_87], %broadcast_in_dim3A_1 {strides = array<i32>} : memref<16x16xf32, #tpu.memory_space<vmem>>, vector<16xf32>,
    %swap3A_89 = arith.constant 7 : i32
    %swap3A_90 = arith.index_cast %swap3A_89 : i32 to index
    %swap3A_91 = arith.constant 0 : index
    %swap3A_92 = tpu.vector_load %arg8[%swap3A_90, %swap3A_91] {strides = array<i32>} : memref<16x16xf32, #tpu.memory_space<vmem>>, vector<16xf32>,
    tpu.vector_store %arg8[%swap3A_90, %swap3A_91], %broadcast_in_dim3A_1 {strides = array<i32>} : memref<16x16xf32, #tpu.memory_space<vmem>>, vector<16xf32>,
    %swap3A_93 = arith.constant 7 : i32
    %swap3A_94 = arith.index_cast %swap3A_93 : i32 to index
    %swap3A_95 = arith.constant 0 : index
    %swap3A_96 = tpu.vector_load %arg9[%swap3A_94, %swap3A_95] {strides = array<i32>} : memref<16x16xf32, #tpu.memory_space<vmem>>, vector<16xf32>,
    tpu.vector_store %arg9[%swap3A_94, %swap3A_95], %broadcast_in_dim3A_1 {strides = array<i32>} : memref<16x16xf32, #tpu.memory_space<vmem>>, vector<16xf32>,
    %swap3A_97 = arith.constant 8 : i32
    %swap3A_98 = arith.index_cast %swap3A_97 : i32 to index
    %swap3A_99 = arith.constant 0 : index
    %swap3A_100 = tpu.vector_load %arg7[%swap3A_98, %swap3A_99] {strides = array<i32>} : memref<16x16xf32, #tpu.memory_space<vmem>>, vector<16xf32>,
    tpu.vector_store %arg7[%swap3A_98, %swap3A_99], %broadcast_in_dim3A_1 {strides = array<i32>} : memref<16x16xf32, #tpu.memory_space<vmem>>, vector<16xf32>,
    %swap3A_101 = arith.constant 8 : i32
    %swap3A_102 = arith.index_cast %swap3A_101 : i32 to index
    %swap3A_103 = arith.constant 0 : index
    %swap3A_104 = tpu.vector_load %arg8[%swap3A_102, %swap3A_103] {strides = array<i32>} : memref<16x16xf32, #tpu.memory_space<vmem>>, vector<16xf32>,
    tpu.vector_store %arg8[%swap3A_102, %swap3A_103], %broadcast_in_dim3A_1 {strides = array<i32>} : memref<16x16xf32, #tpu.memory_space<vmem>>, vector<16xf32>,
    %swap3A_105 = arith.constant 8 : i32
    %swap3A_106 = arith.index_cast %swap3A_105 : i32 to index
    %swap3A_107 = arith.constant 0 : index
    %swap3A_108 = tpu.vector_load %arg9[%swap3A_106, %swap3A_107] {strides = array<i32>} : memref<16x16xf32, #tpu.memory_space<vmem>>, vector<16xf32>,
    tpu.vector_store %arg9[%swap3A_106, %swap3A_107], %broadcast_in_dim3A_1 {strides = array<i32>} : memref<16x16xf32, #tpu.memory_space<vmem>>, vector<16xf32>,
    %swap3A_109 = arith.constant 9 : i32
    %swap3A_110 = arith.index_cast %swap3A_109 : i32 to index
    %swap3A_111 = arith.constant 0 : index
    %swap3A_112 = tpu.vector_load %arg7[%swap3A_110, %swap3A_111] {strides = array<i32>} : memref<16x16xf32, #tpu.memory_space<vmem>>, vector<16xf32>,
    tpu.vector_store %arg7[%swap3A_110, %swap3A_111], %broadcast_in_dim3A_1 {strides = array<i32>} : memref<16x16xf32, #tpu.memory_space<vmem>>, vector<16xf32>,
    %swap3A_113 = arith.constant 9 : i32
    %swap3A_114 = arith.index_cast %swap3A_113 : i32 to index
    %swap3A_115 = arith.constant 0 : index
    %swap3A_116 = tpu.vector_load %arg8[%swap3A_114, %swap3A_115] {strides = array<i32>} : memref<16x16xf32, #tpu.memory_space<vmem>>, vector<16xf32>,
    tpu.vector_store %arg8[%swap3A_114, %swap3A_115], %broadcast_in_dim3A_1 {strides = array<i32>} : memref<16x16xf32, #tpu.memory_space<vmem>>, vector<16xf32>,
    %swap3A_117 = arith.constant 9 : i32
    %swap3A_118 = arith.index_cast %swap3A_117 : i32 to index
    %swap3A_119 = arith.constant 0 : index
    %swap3A_120 = tpu.vector_load %arg9[%swap3A_118, %swap3A_119] {strides = array<i32>} : memref<16x16xf32, #tpu.memory_space<vmem>>, vector<16xf32>,
    tpu.vector_store %arg9[%swap3A_118, %swap3A_119], %broadcast_in_dim3A_1 {strides = array<i32>} : memref<16x16xf32, #tpu.memory_space<vmem>>, vector<16xf32>,
    %swap3A_121 = arith.constant 10 : i32
    %swap3A_122 = arith.index_cast %swap3A_121 : i32 to index
    %swap3A_123 = arith.constant 0 : index
    %swap3A_124 = tpu.vector_load %arg7[%swap3A_122, %swap3A_123] {strides = array<i32>} : memref<16x16xf32, #tpu.memory_space<vmem>>, vector<16xf32>,
    tpu.vector_store %arg7[%swap3A_122, %swap3A_123], %broadcast_in_dim3A_1 {strides = array<i32>} : memref<16x16xf32, #tpu.memory_space<vmem>>, vector<16xf32>,
    %swap3A_125 = arith.constant 10 : i32
    %swap3A_126 = arith.index_cast %swap3A_125 : i32 to index
    %swap3A_127 = arith.constant 0 : index
    %swap3A_128 = tpu.vector_load %arg8[%swap3A_126, %swap3A_127] {strides = array<i32>} : memref<16x16xf32, #tpu.memory_space<vmem>>, vector<16xf32>,
    tpu.vector_store %arg8[%swap3A_126, %swap3A_127], %broadcast_in_dim3A_1 {strides = array<i32>} : memref<16x16xf32, #tpu.memory_space<vmem>>, vector<16xf32>,
    %swap3A_129 = arith.constant 10 : i32
    %swap3A_130 = arith.index_cast %swap3A_129 : i32 to index
    %swap3A_131 = arith.constant 0 : index
    %swap3A_132 = tpu.vector_load %arg9[%swap3A_130, %swap3A_131] {strides = array<i32>} : memref<16x16xf32, #tpu.memory_space<vmem>>, vector<16xf32>,
    tpu.vector_store %arg9[%swap3A_130, %swap3A_131], %broadcast_in_dim3A_1 {strides = array<i32>} : memref<16x16xf32, #tpu.memory_space<vmem>>, vector<16xf32>,
    %swap3A_133 = arith.constant 11 : i32
    %swap3A_134 = arith.index_cast %swap3A_133 : i32 to index
    %swap3A_135 = arith.constant 0 : index
    %swap3A_136 = tpu.vector_load %arg7[%swap3A_134, %swap3A_135] {strides = array<i32>} : memref<16x16xf32, #tpu.memory_space<vmem>>, vector<16xf32>,
    tpu.vector_store %arg7[%swap3A_134, %swap3A_135], %broadcast_in_dim3A_1 {strides = array<i32>} : memref<16x16xf32, #tpu.memory_space<vmem>>, vector<16xf32>,
    %swap3A_137 = arith.constant 11 : i32
    %swap3A_138 = arith.index_cast %swap3A_137 : i32 to index
    %swap3A_139 = arith.constant 0 : index
    %swap3A_140 = tpu.vector_load %arg8[%swap3A_138, %swap3A_139] {strides = array<i32>} : memref<16x16xf32, #tpu.memory_space<vmem>>, vector<16xf32>,
    tpu.vector_store %arg8[%swap3A_138, %swap3A_139], %broadcast_in_dim3A_1 {strides = array<i32>} : memref<16x16xf32, #tpu.memory_space<vmem>>, vector<16xf32>,
    %swap3A_141 = arith.constant 11 : i32
    %swap3A_142 = arith.index_cast %swap3A_141 : i32 to index
    %swap3A_143 = arith.constant 0 : index
    %swap3A_144 = tpu.vector_load %arg9[%swap3A_142, %swap3A_143] {strides = array<i32>} : memref<16x16xf32, #tpu.memory_space<vmem>>, vector<16xf32>,
    tpu.vector_store %arg9[%swap3A_142, %swap3A_143], %broadcast_in_dim3A_1 {strides = array<i32>} : memref<16x16xf32, #tpu.memory_space<vmem>>, vector<16xf32>,
    %swap3A_145 = arith.constant 12 : i32
    %swap3A_146 = arith.index_cast %swap3A_145 : i32 to index
    %swap3A_147 = arith.constant 0 : index
    %swap3A_148 = tpu.vector_load %arg7[%swap3A_146, %swap3A_147] {strides = array<i32>} : memref<16x16xf32, #tpu.memory_space<vmem>>, vector<16xf32>,
    tpu.vector_store %arg7[%swap3A_146, %swap3A_147], %broadcast_in_dim3A_1 {strides = array<i32>} : memref<16x16xf32, #tpu.memory_space<vmem>>, vector<16xf32>,
    %swap3A_149 = arith.constant 12 : i32
    %swap3A_150 = arith.index_cast %swap3A_149 : i32 to index
    %swap3A_151 = arith.constant 0 : index
    %swap3A_152 = tpu.vector_load %arg8[%swap3A_150, %swap3A_151] {strides = array<i32>} : memref<16x16xf32, #tpu.memory_space<vmem>>, vector<16xf32>,
    tpu.vector_store %arg8[%swap3A_150, %swap3A_151], %broadcast_in_dim3A_1 {strides = array<i32>} : memref<16x16xf32, #tpu.memory_space<vmem>>, vector<16xf32>,
    %swap3A_153 = arith.constant 12 : i32
    %swap3A_154 = arith.index_cast %swap3A_153 : i32 to index
    %swap3A_155 = arith.constant 0 : index
    %swap3A_156 = tpu.vector_load %arg9[%swap3A_154, %swap3A_155] {strides = array<i32>} : memref<16x16xf32, #tpu.memory_space<vmem>>, vector<16xf32>,
    tpu.vector_store %arg9[%swap3A_154, %swap3A_155], %broadcast_in_dim3A_1 {strides = array<i32>} : memref<16x16xf32, #tpu.memory_space<vmem>>, vector<16xf32>,
    %swap3A_157 = arith.constant 13 : i32
    %swap3A_158 = arith.index_cast %swap3A_157 : i32 to index
    %swap3A_159 = arith.constant 0 : index
    %swap3A_160 = tpu.vector_load %arg7[%swap3A_158, %swap3A_159] {strides = array<i32>} : memref<16x16xf32, #tpu.memory_space<vmem>>, vector<16xf32>,
    tpu.vector_store %arg7[%swap3A_158, %swap3A_159], %broadcast_in_dim3A_1 {strides = array<i32>} : memref<16x16xf32, #tpu.memory_space<vmem>>, vector<16xf32>,
    %swap3A_161 = arith.constant 13 : i32
    %swap3A_162 = arith.index_cast %swap3A_161 : i32 to index
    %swap3A_163 = arith.constant 0 : index
    %swap3A_164 = tpu.vector_load %arg8[%swap3A_162, %swap3A_163] {strides = array<i32>} : memref<16x16xf32, #tpu.memory_space<vmem>>, vector<16xf32>,
    tpu.vector_store %arg8[%swap3A_162, %swap3A_163], %broadcast_in_dim3A_1 {strides = array<i32>} : memref<16x16xf32, #tpu.memory_space<vmem>>, vector<16xf32>,
    %swap3A_165 = arith.constant 13 : i32
    %swap3A_166 = arith.index_cast %swap3A_165 : i32 to index
    %swap3A_167 = arith.constant 0 : index
    %swap3A_168 = tpu.vector_load %arg9[%swap3A_166, %swap3A_167] {strides = array<i32>} : memref<16x16xf32, #tpu.memory_space<vmem>>, vector<16xf32>,
    tpu.vector_store %arg9[%swap3A_166, %swap3A_167], %broadcast_in_dim3A_1 {strides = array<i32>} : memref<16x16xf32, #tpu.memory_space<vmem>>, vector<16xf32>,
    %swap3A_169 = arith.constant 14 : i32
    %swap3A_170 = arith.index_cast %swap3A_169 : i32 to index
    %swap3A_171 = arith.constant 0 : index
    %swap3A_172 = tpu.vector_load %arg7[%swap3A_170, %swap3A_171] {strides = array<i32>} : memref<16x16xf32, #tpu.memory_space<vmem>>, vector<16xf32>,
    tpu.vector_store %arg7[%swap3A_170, %swap3A_171], %broadcast_in_dim3A_1 {strides = array<i32>} : memref<16x16xf32, #tpu.memory_space<vmem>>, vector<16xf32>,
    %swap3A_173 = arith.constant 14 : i32
    %swap3A_174 = arith.index_cast %swap3A_173 : i32 to index
    %swap3A_175 = arith.constant 0 : index
    %swap3A_176 = tpu.vector_load %arg8[%swap3A_174, %swap3A_175] {strides = array<i32>} : memref<16x16xf32, #tpu.memory_space<vmem>>, vector<16xf32>,
    tpu.vector_store %arg8[%swap3A_174, %swap3A_175], %broadcast_in_dim3A_1 {strides = array<i32>} : memref<16x16xf32, #tpu.memory_space<vmem>>, vector<16xf32>,
    %swap3A_177 = arith.constant 14 : i32
    %swap3A_178 = arith.index_cast %swap3A_177 : i32 to index
    %swap3A_179 = arith.constant 0 : index
    %swap3A_180 = tpu.vector_load %arg9[%swap3A_178, %swap3A_179] {strides = array<i32>} : memref<16x16xf32, #tpu.memory_space<vmem>>, vector<16xf32>,
    tpu.vector_store %arg9[%swap3A_178, %swap3A_179], %broadcast_in_dim3A_1 {strides = array<i32>} : memref<16x16xf32, #tpu.memory_space<vmem>>, vector<16xf32>,
    %swap3A_181 = arith.constant 15 : i32
    %swap3A_182 = arith.index_cast %swap3A_181 : i32 to index
    %swap3A_183 = arith.constant 0 : index
    %swap3A_184 = tpu.vector_load %arg7[%swap3A_182, %swap3A_183] {strides = array<i32>} : memref<16x16xf32, #tpu.memory_space<vmem>>, vector<16xf32>,
    tpu.vector_store %arg7[%swap3A_182, %swap3A_183], %broadcast_in_dim3A_1 {strides = array<i32>} : memref<16x16xf32, #tpu.memory_space<vmem>>, vector<16xf32>,
    %swap3A_185 = arith.constant 15 : i32
    %swap3A_186 = arith.index_cast %swap3A_185 : i32 to index
    %swap3A_187 = arith.constant 0 : index
    %swap3A_188 = tpu.vector_load %arg8[%swap3A_186, %swap3A_187] {strides = array<i32>} : memref<16x16xf32, #tpu.memory_space<vmem>>, vector<16xf32>,
    tpu.vector_store %arg8[%swap3A_186, %swap3A_187], %broadcast_in_dim3A_1 {strides = array<i32>} : memref<16x16xf32, #tpu.memory_space<vmem>>, vector<16xf32>,
    %swap3A_189 = arith.constant 15 : i32
    %swap3A_190 = arith.index_cast %swap3A_189 : i32 to index
    %swap3A_191 = arith.constant 0 : index
    %swap3A_192 = tpu.vector_load %arg9[%swap3A_190, %swap3A_191] {strides = array<i32>} : memref<16x16xf32, #tpu.memory_space<vmem>>, vector<16xf32>,
    tpu.vector_store %arg9[%swap3A_190, %swap3A_191], %broadcast_in_dim3A_1 {strides = array<i32>} : memref<16x16xf32, #tpu.memory_space<vmem>>, vector<16xf32>,
    %iota3A = tpu.iota {dimensions = array<i32: 0>} : vector<16xi32>
    %broadcast_in_dim3A_193 = arith.constant 1.000000e+00 : f32
    %broadcast_in_dim3A_194 = vector.broadcast %broadcast_in_dim3A_193 : f32 to vector<16xf32>
    %scan3A = arith.constant 0 : i32
    %scan3A_195 = arith.constant 0 : i32
    %scan3A_196 = arith.constant 391 : i32
    %scan3A_197 = arith.addi %scan3A_195, %scan3A_196 : i32
    %scan3A_198 = arith.constant 1 : i32
    scf.for %scan3A_452 = %scan3A_195 to %scan3A_197 step %scan3A_198  : i32 {
      %mul3A_453 = arith.constant 16 : i32
      %mul3A_454 = arith.muli %scan3A_452, %mul3A_453 : i32
      %get3A_455 = arith.index_cast %mul3A_454 : i32 to index
      %get3A_456 = tpu.vector_load %arg5[%get3A_455] {strides = array<i32>} : memref<6256xf32, #tpu.memory_space<vmem>>, vector<16xf32>,
      %mul3A_457 = arith.constant 16 : i32
      %mul3A_458 = arith.muli %scan3A_452, %mul3A_457 : i32
      %get3A_459 = arith.index_cast %mul3A_458 : i32 to index
      %get3A_460 = tpu.vector_load %arg6[%get3A_459] {strides = array<i32>} : memref<6256xf32, #tpu.memory_space<vmem>>, vector<16xf32>,
      %broadcast_in_dim3A_461 = arith.constant 0.000000e+00 : f32
      %broadcast_in_dim3A_462 = vector.broadcast %broadcast_in_dim3A_461 : f32 to vector<16xf32>
      %broadcast_in_dim3A_463 = arith.constant 0.000000e+00 : f32
      %broadcast_in_dim3A_464 = vector.broadcast %broadcast_in_dim3A_463 : f32 to vector<16xf32>
      %gt3A = arith.cmpf ogt, %get3A_456, %broadcast_in_dim3A_464 : vector<16xf32>
      %jit3A = arith.constant 1.000000e+00 : f32
      %jit3A_465 = arith.constant 0.000000e+00 : f32
      %broadcast_in_dim3A_466 = vector.broadcast %jit3A : f32 to vector<16xf32>
      %broadcast_in_dim3A_467 = vector.broadcast %jit3A_465 : f32 to vector<16xf32>
      %select_n3A = arith.select %gt3A, %broadcast_in_dim3A_466, %broadcast_in_dim3A_467 : vector<16xi1>, vector<16xf32>
      %add3A_468 = arith.addf %broadcast_in_dim3A_462, %select_n3A : vector<16xf32>
      %broadcast_in_dim3A_469 = arith.constant 0.0666666701 : f32
      %broadcast_in_dim3A_470 = vector.broadcast %broadcast_in_dim3A_469 : f32 to vector<16xf32>
      %gt3A_471 = arith.cmpf ogt, %get3A_456, %broadcast_in_dim3A_470 : vector<16xf32>
      %jit3A_472 = arith.constant 1.000000e+00 : f32
      %jit3A_473 = arith.constant 0.000000e+00 : f32
      %broadcast_in_dim3A_474 = vector.broadcast %jit3A_472 : f32 to vector<16xf32>
      %broadcast_in_dim3A_475 = vector.broadcast %jit3A_473 : f32 to vector<16xf32>
      %select_n3A_476 = arith.select %gt3A_471, %broadcast_in_dim3A_474, %broadcast_in_dim3A_475 : vector<16xi1>, vector<16xf32>
      %add3A_477 = arith.addf %add3A_468, %select_n3A_476 : vector<16xf32>
      %broadcast_in_dim3A_478 = arith.constant 0.13333334 : f32
      %broadcast_in_dim3A_479 = vector.broadcast %broadcast_in_dim3A_478 : f32 to vector<16xf32>
      %gt3A_480 = arith.cmpf ogt, %get3A_456, %broadcast_in_dim3A_479 : vector<16xf32>
      %jit3A_481 = arith.constant 1.000000e+00 : f32
      %jit3A_482 = arith.constant 0.000000e+00 : f32
      %broadcast_in_dim3A_483 = vector.broadcast %jit3A_481 : f32 to vector<16xf32>
      %broadcast_in_dim3A_484 = vector.broadcast %jit3A_482 : f32 to vector<16xf32>
      %select_n3A_485 = arith.select %gt3A_480, %broadcast_in_dim3A_483, %broadcast_in_dim3A_484 : vector<16xi1>, vector<16xf32>
      %add3A_486 = arith.addf %add3A_477, %select_n3A_485 : vector<16xf32>
      %broadcast_in_dim3A_487 = arith.constant 2.000000e-01 : f32
      %broadcast_in_dim3A_488 = vector.broadcast %broadcast_in_dim3A_487 : f32 to vector<16xf32>
      %gt3A_489 = arith.cmpf ogt, %get3A_456, %broadcast_in_dim3A_488 : vector<16xf32>
      %jit3A_490 = arith.constant 1.000000e+00 : f32
      %jit3A_491 = arith.constant 0.000000e+00 : f32
      %broadcast_in_dim3A_492 = vector.broadcast %jit3A_490 : f32 to vector<16xf32>
      %broadcast_in_dim3A_493 = vector.broadcast %jit3A_491 : f32 to vector<16xf32>
      %select_n3A_494 = arith.select %gt3A_489, %broadcast_in_dim3A_492, %broadcast_in_dim3A_493 : vector<16xi1>, vector<16xf32>
      %add3A_495 = arith.addf %add3A_486, %select_n3A_494 : vector<16xf32>
      %broadcast_in_dim3A_496 = arith.constant 0.266666681 : f32
      %broadcast_in_dim3A_497 = vector.broadcast %broadcast_in_dim3A_496 : f32 to vector<16xf32>
      %gt3A_498 = arith.cmpf ogt, %get3A_456, %broadcast_in_dim3A_497 : vector<16xf32>
      %jit3A_499 = arith.constant 1.000000e+00 : f32
      %jit3A_500 = arith.constant 0.000000e+00 : f32
      %broadcast_in_dim3A_501 = vector.broadcast %jit3A_499 : f32 to vector<16xf32>
      %broadcast_in_dim3A_502 = vector.broadcast %jit3A_500 : f32 to vector<16xf32>
      %select_n3A_503 = arith.select %gt3A_498, %broadcast_in_dim3A_501, %broadcast_in_dim3A_502 : vector<16xi1>, vector<16xf32>
      %add3A_504 = arith.addf %add3A_495, %select_n3A_503 : vector<16xf32>
      %broadcast_in_dim3A_505 = arith.constant 0.333333343 : f32
      %broadcast_in_dim3A_506 = vector.broadcast %broadcast_in_dim3A_505 : f32 to vector<16xf32>
      %gt3A_507 = arith.cmpf ogt, %get3A_456, %broadcast_in_dim3A_506 : vector<16xf32>
      %jit3A_508 = arith.constant 1.000000e+00 : f32
      %jit3A_509 = arith.constant 0.000000e+00 : f32
      %broadcast_in_dim3A_510 = vector.broadcast %jit3A_508 : f32 to vector<16xf32>
      %broadcast_in_dim3A_511 = vector.broadcast %jit3A_509 : f32 to vector<16xf32>
      %select_n3A_512 = arith.select %gt3A_507, %broadcast_in_dim3A_510, %broadcast_in_dim3A_511 : vector<16xi1>, vector<16xf32>
      %add3A_513 = arith.addf %add3A_504, %select_n3A_512 : vector<16xf32>
      %broadcast_in_dim3A_514 = arith.constant 4.000000e-01 : f32
      %broadcast_in_dim3A_515 = vector.broadcast %broadcast_in_dim3A_514 : f32 to vector<16xf32>
      %gt3A_516 = arith.cmpf ogt, %get3A_456, %broadcast_in_dim3A_515 : vector<16xf32>
      %jit3A_517 = arith.constant 1.000000e+00 : f32
      %jit3A_518 = arith.constant 0.000000e+00 : f32
      %broadcast_in_dim3A_519 = vector.broadcast %jit3A_517 : f32 to vector<16xf32>
      %broadcast_in_dim3A_520 = vector.broadcast %jit3A_518 : f32 to vector<16xf32>
      %select_n3A_521 = arith.select %gt3A_516, %broadcast_in_dim3A_519, %broadcast_in_dim3A_520 : vector<16xi1>, vector<16xf32>
      %add3A_522 = arith.addf %add3A_513, %select_n3A_521 : vector<16xf32>
      %broadcast_in_dim3A_523 = arith.constant 0.466666669 : f32
      %broadcast_in_dim3A_524 = vector.broadcast %broadcast_in_dim3A_523 : f32 to vector<16xf32>
      %gt3A_525 = arith.cmpf ogt, %get3A_456, %broadcast_in_dim3A_524 : vector<16xf32>
      %jit3A_526 = arith.constant 1.000000e+00 : f32
      %jit3A_527 = arith.constant 0.000000e+00 : f32
      %broadcast_in_dim3A_528 = vector.broadcast %jit3A_526 : f32 to vector<16xf32>
      %broadcast_in_dim3A_529 = vector.broadcast %jit3A_527 : f32 to vector<16xf32>
      %select_n3A_530 = arith.select %gt3A_525, %broadcast_in_dim3A_528, %broadcast_in_dim3A_529 : vector<16xi1>, vector<16xf32>
      %add3A_531 = arith.addf %add3A_522, %select_n3A_530 : vector<16xf32>
      %broadcast_in_dim3A_532 = arith.constant 0.533333361 : f32
      %broadcast_in_dim3A_533 = vector.broadcast %broadcast_in_dim3A_532 : f32 to vector<16xf32>
      %gt3A_534 = arith.cmpf ogt, %get3A_456, %broadcast_in_dim3A_533 : vector<16xf32>
      %jit3A_535 = arith.constant 1.000000e+00 : f32
      %jit3A_536 = arith.constant 0.000000e+00 : f32
      %broadcast_in_dim3A_537 = vector.broadcast %jit3A_535 : f32 to vector<16xf32>
      %broadcast_in_dim3A_538 = vector.broadcast %jit3A_536 : f32 to vector<16xf32>
      %select_n3A_539 = arith.select %gt3A_534, %broadcast_in_dim3A_537, %broadcast_in_dim3A_538 : vector<16xi1>, vector<16xf32>
      %add3A_540 = arith.addf %add3A_531, %select_n3A_539 : vector<16xf32>
      %broadcast_in_dim3A_541 = arith.constant 6.000000e-01 : f32
      %broadcast_in_dim3A_542 = vector.broadcast %broadcast_in_dim3A_541 : f32 to vector<16xf32>
      %gt3A_543 = arith.cmpf ogt, %get3A_456, %broadcast_in_dim3A_542 : vector<16xf32>
      %jit3A_544 = arith.constant 1.000000e+00 : f32
      %jit3A_545 = arith.constant 0.000000e+00 : f32
      %broadcast_in_dim3A_546 = vector.broadcast %jit3A_544 : f32 to vector<16xf32>
      %broadcast_in_dim3A_547 = vector.broadcast %jit3A_545 : f32 to vector<16xf32>
      %select_n3A_548 = arith.select %gt3A_543, %broadcast_in_dim3A_546, %broadcast_in_dim3A_547 : vector<16xi1>, vector<16xf32>
      %add3A_549 = arith.addf %add3A_540, %select_n3A_548 : vector<16xf32>
      %broadcast_in_dim3A_550 = arith.constant 0.666666686 : f32
      %broadcast_in_dim3A_551 = vector.broadcast %broadcast_in_dim3A_550 : f32 to vector<16xf32>
      %gt3A_552 = arith.cmpf ogt, %get3A_456, %broadcast_in_dim3A_551 : vector<16xf32>
      %jit3A_553 = arith.constant 1.000000e+00 : f32
      %jit3A_554 = arith.constant 0.000000e+00 : f32
      %broadcast_in_dim3A_555 = vector.broadcast %jit3A_553 : f32 to vector<16xf32>
      %broadcast_in_dim3A_556 = vector.broadcast %jit3A_554 : f32 to vector<16xf32>
      %select_n3A_557 = arith.select %gt3A_552, %broadcast_in_dim3A_555, %broadcast_in_dim3A_556 : vector<16xi1>, vector<16xf32>
      %add3A_558 = arith.addf %add3A_549, %select_n3A_557 : vector<16xf32>
      %broadcast_in_dim3A_559 = arith.constant 0.733333349 : f32
      %broadcast_in_dim3A_560 = vector.broadcast %broadcast_in_dim3A_559 : f32 to vector<16xf32>
      %gt3A_561 = arith.cmpf ogt, %get3A_456, %broadcast_in_dim3A_560 : vector<16xf32>
      %jit3A_562 = arith.constant 1.000000e+00 : f32
      %jit3A_563 = arith.constant 0.000000e+00 : f32
      %broadcast_in_dim3A_564 = vector.broadcast %jit3A_562 : f32 to vector<16xf32>
      %broadcast_in_dim3A_565 = vector.broadcast %jit3A_563 : f32 to vector<16xf32>
      %select_n3A_566 = arith.select %gt3A_561, %broadcast_in_dim3A_564, %broadcast_in_dim3A_565 : vector<16xi1>, vector<16xf32>
      %add3A_567 = arith.addf %add3A_558, %select_n3A_566 : vector<16xf32>
      %broadcast_in_dim3A_568 = arith.constant 8.000000e-01 : f32
      %broadcast_in_dim3A_569 = vector.broadcast %broadcast_in_dim3A_568 : f32 to vector<16xf32>
      %gt3A_570 = arith.cmpf ogt, %get3A_456, %broadcast_in_dim3A_569 : vector<16xf32>
      %jit3A_571 = arith.constant 1.000000e+00 : f32
      %jit3A_572 = arith.constant 0.000000e+00 : f32
      %broadcast_in_dim3A_573 = vector.broadcast %jit3A_571 : f32 to vector<16xf32>
      %broadcast_in_dim3A_574 = vector.broadcast %jit3A_572 : f32 to vector<16xf32>
      %select_n3A_575 = arith.select %gt3A_570, %broadcast_in_dim3A_573, %broadcast_in_dim3A_574 : vector<16xi1>, vector<16xf32>
      %add3A_576 = arith.addf %add3A_567, %select_n3A_575 : vector<16xf32>
      %broadcast_in_dim3A_577 = arith.constant 0.866666674 : f32
      %broadcast_in_dim3A_578 = vector.broadcast %broadcast_in_dim3A_577 : f32 to vector<16xf32>
      %gt3A_579 = arith.cmpf ogt, %get3A_456, %broadcast_in_dim3A_578 : vector<16xf32>
      %jit3A_580 = arith.constant 1.000000e+00 : f32
      %jit3A_581 = arith.constant 0.000000e+00 : f32
      %broadcast_in_dim3A_582 = vector.broadcast %jit3A_580 : f32 to vector<16xf32>
      %broadcast_in_dim3A_583 = vector.broadcast %jit3A_581 : f32 to vector<16xf32>
      %select_n3A_584 = arith.select %gt3A_579, %broadcast_in_dim3A_582, %broadcast_in_dim3A_583 : vector<16xi1>, vector<16xf32>
      %add3A_585 = arith.addf %add3A_576, %select_n3A_584 : vector<16xf32>
      %broadcast_in_dim3A_586 = arith.constant 0.933333337 : f32
      %broadcast_in_dim3A_587 = vector.broadcast %broadcast_in_dim3A_586 : f32 to vector<16xf32>
      %gt3A_588 = arith.cmpf ogt, %get3A_456, %broadcast_in_dim3A_587 : vector<16xf32>
      %jit3A_589 = arith.constant 1.000000e+00 : f32
      %jit3A_590 = arith.constant 0.000000e+00 : f32
      %broadcast_in_dim3A_591 = vector.broadcast %jit3A_589 : f32 to vector<16xf32>
      %broadcast_in_dim3A_592 = vector.broadcast %jit3A_590 : f32 to vector<16xf32>
      %select_n3A_593 = arith.select %gt3A_588, %broadcast_in_dim3A_591, %broadcast_in_dim3A_592 : vector<16xi1>, vector<16xf32>
      %add3A_594 = arith.addf %add3A_585, %select_n3A_593 : vector<16xf32>
      %gt3A_595 = arith.constant 5.000000e-01 : f32
      %gt3A_596 = vector.broadcast %gt3A_595 : f32 to vector<16xf32>
      %gt3A_597 = arith.cmpf ogt, %add3A_594, %gt3A_596 : vector<16xf32>
      %sub3A = arith.constant 1.000000e+00 : f32
      %sub3A_598 = vector.broadcast %sub3A : f32 to vector<16xf32>
      %sub3A_599 = arith.subf %add3A_594, %sub3A_598 : vector<16xf32>
      %max3A = arith.constant 0.000000e+00 : f32
      %max3A_600 = vector.broadcast %max3A : f32 to vector<16xf32>
      %max3A_601 = arith.maximumf %sub3A_599, %max3A_600 : vector<16xf32>
      %convert_element_type3A_602 = arith.fptosi %max3A_601 : vector<16xf32> to vector<16xi32>
      tpu.vector_store_idx %arg7[%iota3A, %convert_element_type3A_602], %broadcast_in_dim3A_194 masked %gt3A_597 {add = true} : memref<16x16xf32, #tpu.memory_space<vmem>>[vector<16xi32>, vector<16xi32>], vector<16xf32>, vector<16xi1>
      tpu.vector_store_idx %arg8[%iota3A, %convert_element_type3A_602], %get3A_456 masked %gt3A_597 {add = true} : memref<16x16xf32, #tpu.memory_space<vmem>>[vector<16xi32>, vector<16xi32>], vector<16xf32>, vector<16xi1>
      tpu.vector_store_idx %arg9[%iota3A, %convert_element_type3A_602], %get3A_460 masked %gt3A_597 {add = true} : memref<16x16xf32, #tpu.memory_space<vmem>>[vector<16xi32>, vector<16xi32>], vector<16xf32>, vector<16xi1>
    }
    %scan3A_199 = arith.constant 391 : i32
    %broadcast_in_dim3A_200 = arith.constant 0.000000e+00 : f32
    %broadcast_in_dim3A_201 = vector.broadcast %broadcast_in_dim3A_200 : f32 to vector<16xf32>
    %broadcast_in_dim3A_202 = arith.constant 0.000000e+00 : f32
    %broadcast_in_dim3A_203 = vector.broadcast %broadcast_in_dim3A_202 : f32 to vector<16xf32>
    %broadcast_in_dim3A_204 = arith.constant 0.000000e+00 : f32
    %broadcast_in_dim3A_205 = vector.broadcast %broadcast_in_dim3A_204 : f32 to vector<16xf32>
    %get3A = arith.constant 0 : i32
    %get3A_206 = arith.index_cast %get3A : i32 to index
    %get3A_207 = arith.constant 0 : index
    %get3A_208 = tpu.vector_load %arg7[%get3A_206, %get3A_207] {strides = array<i32>} : memref<16x16xf32, #tpu.memory_space<vmem>>, vector<16xf32>,
    %add3A = arith.addf %broadcast_in_dim3A_201, %get3A_208 : vector<16xf32>
    %get3A_209 = arith.constant 0 : i32
    %get3A_210 = arith.index_cast %get3A_209 : i32 to index
    %get3A_211 = arith.constant 0 : index
    %get3A_212 = tpu.vector_load %arg8[%get3A_210, %get3A_211] {strides = array<i32>} : memref<16x16xf32, #tpu.memory_space<vmem>>, vector<16xf32>,
    %add3A_213 = arith.addf %broadcast_in_dim3A_203, %get3A_212 : vector<16xf32>
    %get3A_214 = arith.constant 0 : i32
    %get3A_215 = arith.index_cast %get3A_214 : i32 to index
    %get3A_216 = arith.constant 0 : index
    %get3A_217 = tpu.vector_load %arg9[%get3A_215, %get3A_216] {strides = array<i32>} : memref<16x16xf32, #tpu.memory_space<vmem>>, vector<16xf32>,
    %add3A_218 = arith.addf %broadcast_in_dim3A_205, %get3A_217 : vector<16xf32>
    %get3A_219 = arith.constant 1 : i32
    %get3A_220 = arith.index_cast %get3A_219 : i32 to index
    %get3A_221 = arith.constant 0 : index
    %get3A_222 = tpu.vector_load %arg7[%get3A_220, %get3A_221] {strides = array<i32>} : memref<16x16xf32, #tpu.memory_space<vmem>>, vector<16xf32>,
    %add3A_223 = arith.addf %add3A, %get3A_222 : vector<16xf32>
    %get3A_224 = arith.constant 1 : i32
    %get3A_225 = arith.index_cast %get3A_224 : i32 to index
    %get3A_226 = arith.constant 0 : index
    %get3A_227 = tpu.vector_load %arg8[%get3A_225, %get3A_226] {strides = array<i32>} : memref<16x16xf32, #tpu.memory_space<vmem>>, vector<16xf32>,
    %add3A_228 = arith.addf %add3A_213, %get3A_227 : vector<16xf32>
    %get3A_229 = arith.constant 1 : i32
    %get3A_230 = arith.index_cast %get3A_229 : i32 to index
    %get3A_231 = arith.constant 0 : index
    %get3A_232 = tpu.vector_load %arg9[%get3A_230, %get3A_231] {strides = array<i32>} : memref<16x16xf32, #tpu.memory_space<vmem>>, vector<16xf32>,
    %add3A_233 = arith.addf %add3A_218, %get3A_232 : vector<16xf32>
    %get3A_234 = arith.constant 2 : i32
    %get3A_235 = arith.index_cast %get3A_234 : i32 to index
    %get3A_236 = arith.constant 0 : index
    %get3A_237 = tpu.vector_load %arg7[%get3A_235, %get3A_236] {strides = array<i32>} : memref<16x16xf32, #tpu.memory_space<vmem>>, vector<16xf32>,
    %add3A_238 = arith.addf %add3A_223, %get3A_237 : vector<16xf32>
    %get3A_239 = arith.constant 2 : i32
    %get3A_240 = arith.index_cast %get3A_239 : i32 to index
    %get3A_241 = arith.constant 0 : index
    %get3A_242 = tpu.vector_load %arg8[%get3A_240, %get3A_241] {strides = array<i32>} : memref<16x16xf32, #tpu.memory_space<vmem>>, vector<16xf32>,
    %add3A_243 = arith.addf %add3A_228, %get3A_242 : vector<16xf32>
    %get3A_244 = arith.constant 2 : i32
    %get3A_245 = arith.index_cast %get3A_244 : i32 to index
    %get3A_246 = arith.constant 0 : index
    %get3A_247 = tpu.vector_load %arg9[%get3A_245, %get3A_246] {strides = array<i32>} : memref<16x16xf32, #tpu.memory_space<vmem>>, vector<16xf32>,
    %add3A_248 = arith.addf %add3A_233, %get3A_247 : vector<16xf32>
    %get3A_249 = arith.constant 3 : i32
    %get3A_250 = arith.index_cast %get3A_249 : i32 to index
    %get3A_251 = arith.constant 0 : index
    %get3A_252 = tpu.vector_load %arg7[%get3A_250, %get3A_251] {strides = array<i32>} : memref<16x16xf32, #tpu.memory_space<vmem>>, vector<16xf32>,
    %add3A_253 = arith.addf %add3A_238, %get3A_252 : vector<16xf32>
    %get3A_254 = arith.constant 3 : i32
    %get3A_255 = arith.index_cast %get3A_254 : i32 to index
    %get3A_256 = arith.constant 0 : index
    %get3A_257 = tpu.vector_load %arg8[%get3A_255, %get3A_256] {strides = array<i32>} : memref<16x16xf32, #tpu.memory_space<vmem>>, vector<16xf32>,
    %add3A_258 = arith.addf %add3A_243, %get3A_257 : vector<16xf32>
    %get3A_259 = arith.constant 3 : i32
    %get3A_260 = arith.index_cast %get3A_259 : i32 to index
    %get3A_261 = arith.constant 0 : index
    %get3A_262 = tpu.vector_load %arg9[%get3A_260, %get3A_261] {strides = array<i32>} : memref<16x16xf32, #tpu.memory_space<vmem>>, vector<16xf32>,
    %add3A_263 = arith.addf %add3A_248, %get3A_262 : vector<16xf32>
    %get3A_264 = arith.constant 4 : i32
    %get3A_265 = arith.index_cast %get3A_264 : i32 to index
    %get3A_266 = arith.constant 0 : index
    %get3A_267 = tpu.vector_load %arg7[%get3A_265, %get3A_266] {strides = array<i32>} : memref<16x16xf32, #tpu.memory_space<vmem>>, vector<16xf32>,
    %add3A_268 = arith.addf %add3A_253, %get3A_267 : vector<16xf32>
    %get3A_269 = arith.constant 4 : i32
    %get3A_270 = arith.index_cast %get3A_269 : i32 to index
    %get3A_271 = arith.constant 0 : index
    %get3A_272 = tpu.vector_load %arg8[%get3A_270, %get3A_271] {strides = array<i32>} : memref<16x16xf32, #tpu.memory_space<vmem>>, vector<16xf32>,
    %add3A_273 = arith.addf %add3A_258, %get3A_272 : vector<16xf32>
    %get3A_274 = arith.constant 4 : i32
    %get3A_275 = arith.index_cast %get3A_274 : i32 to index
    %get3A_276 = arith.constant 0 : index
    %get3A_277 = tpu.vector_load %arg9[%get3A_275, %get3A_276] {strides = array<i32>} : memref<16x16xf32, #tpu.memory_space<vmem>>, vector<16xf32>,
    %add3A_278 = arith.addf %add3A_263, %get3A_277 : vector<16xf32>
    %get3A_279 = arith.constant 5 : i32
    %get3A_280 = arith.index_cast %get3A_279 : i32 to index
    %get3A_281 = arith.constant 0 : index
    %get3A_282 = tpu.vector_load %arg7[%get3A_280, %get3A_281] {strides = array<i32>} : memref<16x16xf32, #tpu.memory_space<vmem>>, vector<16xf32>,
    %add3A_283 = arith.addf %add3A_268, %get3A_282 : vector<16xf32>
    %get3A_284 = arith.constant 5 : i32
    %get3A_285 = arith.index_cast %get3A_284 : i32 to index
    %get3A_286 = arith.constant 0 : index
    %get3A_287 = tpu.vector_load %arg8[%get3A_285, %get3A_286] {strides = array<i32>} : memref<16x16xf32, #tpu.memory_space<vmem>>, vector<16xf32>,
    %add3A_288 = arith.addf %add3A_273, %get3A_287 : vector<16xf32>
    %get3A_289 = arith.constant 5 : i32
    %get3A_290 = arith.index_cast %get3A_289 : i32 to index
    %get3A_291 = arith.constant 0 : index
    %get3A_292 = tpu.vector_load %arg9[%get3A_290, %get3A_291] {strides = array<i32>} : memref<16x16xf32, #tpu.memory_space<vmem>>, vector<16xf32>,
    %add3A_293 = arith.addf %add3A_278, %get3A_292 : vector<16xf32>
    %get3A_294 = arith.constant 6 : i32
    %get3A_295 = arith.index_cast %get3A_294 : i32 to index
    %get3A_296 = arith.constant 0 : index
    %get3A_297 = tpu.vector_load %arg7[%get3A_295, %get3A_296] {strides = array<i32>} : memref<16x16xf32, #tpu.memory_space<vmem>>, vector<16xf32>,
    %add3A_298 = arith.addf %add3A_283, %get3A_297 : vector<16xf32>
    %get3A_299 = arith.constant 6 : i32
    %get3A_300 = arith.index_cast %get3A_299 : i32 to index
    %get3A_301 = arith.constant 0 : index
    %get3A_302 = tpu.vector_load %arg8[%get3A_300, %get3A_301] {strides = array<i32>} : memref<16x16xf32, #tpu.memory_space<vmem>>, vector<16xf32>,
    %add3A_303 = arith.addf %add3A_288, %get3A_302 : vector<16xf32>
    %get3A_304 = arith.constant 6 : i32
    %get3A_305 = arith.index_cast %get3A_304 : i32 to index
    %get3A_306 = arith.constant 0 : index
    %get3A_307 = tpu.vector_load %arg9[%get3A_305, %get3A_306] {strides = array<i32>} : memref<16x16xf32, #tpu.memory_space<vmem>>, vector<16xf32>,
    %add3A_308 = arith.addf %add3A_293, %get3A_307 : vector<16xf32>
    %get3A_309 = arith.constant 7 : i32
    %get3A_310 = arith.index_cast %get3A_309 : i32 to index
    %get3A_311 = arith.constant 0 : index
    %get3A_312 = tpu.vector_load %arg7[%get3A_310, %get3A_311] {strides = array<i32>} : memref<16x16xf32, #tpu.memory_space<vmem>>, vector<16xf32>,
    %add3A_313 = arith.addf %add3A_298, %get3A_312 : vector<16xf32>
    %get3A_314 = arith.constant 7 : i32
    %get3A_315 = arith.index_cast %get3A_314 : i32 to index
    %get3A_316 = arith.constant 0 : index
    %get3A_317 = tpu.vector_load %arg8[%get3A_315, %get3A_316] {strides = array<i32>} : memref<16x16xf32, #tpu.memory_space<vmem>>, vector<16xf32>,
    %add3A_318 = arith.addf %add3A_303, %get3A_317 : vector<16xf32>
    %get3A_319 = arith.constant 7 : i32
    %get3A_320 = arith.index_cast %get3A_319 : i32 to index
    %get3A_321 = arith.constant 0 : index
    %get3A_322 = tpu.vector_load %arg9[%get3A_320, %get3A_321] {strides = array<i32>} : memref<16x16xf32, #tpu.memory_space<vmem>>, vector<16xf32>,
    %add3A_323 = arith.addf %add3A_308, %get3A_322 : vector<16xf32>
    %get3A_324 = arith.constant 8 : i32
    %get3A_325 = arith.index_cast %get3A_324 : i32 to index
    %get3A_326 = arith.constant 0 : index
    %get3A_327 = tpu.vector_load %arg7[%get3A_325, %get3A_326] {strides = array<i32>} : memref<16x16xf32, #tpu.memory_space<vmem>>, vector<16xf32>,
    %add3A_328 = arith.addf %add3A_313, %get3A_327 : vector<16xf32>
    %get3A_329 = arith.constant 8 : i32
    %get3A_330 = arith.index_cast %get3A_329 : i32 to index
    %get3A_331 = arith.constant 0 : index
    %get3A_332 = tpu.vector_load %arg8[%get3A_330, %get3A_331] {strides = array<i32>} : memref<16x16xf32, #tpu.memory_space<vmem>>, vector<16xf32>,
    %add3A_333 = arith.addf %add3A_318, %get3A_332 : vector<16xf32>
    %get3A_334 = arith.constant 8 : i32
    %get3A_335 = arith.index_cast %get3A_334 : i32 to index
    %get3A_336 = arith.constant 0 : index
    %get3A_337 = tpu.vector_load %arg9[%get3A_335, %get3A_336] {strides = array<i32>} : memref<16x16xf32, #tpu.memory_space<vmem>>, vector<16xf32>,
    %add3A_338 = arith.addf %add3A_323, %get3A_337 : vector<16xf32>
    %get3A_339 = arith.constant 9 : i32
    %get3A_340 = arith.index_cast %get3A_339 : i32 to index
    %get3A_341 = arith.constant 0 : index
    %get3A_342 = tpu.vector_load %arg7[%get3A_340, %get3A_341] {strides = array<i32>} : memref<16x16xf32, #tpu.memory_space<vmem>>, vector<16xf32>,
    %add3A_343 = arith.addf %add3A_328, %get3A_342 : vector<16xf32>
    %get3A_344 = arith.constant 9 : i32
    %get3A_345 = arith.index_cast %get3A_344 : i32 to index
    %get3A_346 = arith.constant 0 : index
    %get3A_347 = tpu.vector_load %arg8[%get3A_345, %get3A_346] {strides = array<i32>} : memref<16x16xf32, #tpu.memory_space<vmem>>, vector<16xf32>,
    %add3A_348 = arith.addf %add3A_333, %get3A_347 : vector<16xf32>
    %get3A_349 = arith.constant 9 : i32
    %get3A_350 = arith.index_cast %get3A_349 : i32 to index
    %get3A_351 = arith.constant 0 : index
    %get3A_352 = tpu.vector_load %arg9[%get3A_350, %get3A_351] {strides = array<i32>} : memref<16x16xf32, #tpu.memory_space<vmem>>, vector<16xf32>,
    %add3A_353 = arith.addf %add3A_338, %get3A_352 : vector<16xf32>
    %get3A_354 = arith.constant 10 : i32
    %get3A_355 = arith.index_cast %get3A_354 : i32 to index
    %get3A_356 = arith.constant 0 : index
    %get3A_357 = tpu.vector_load %arg7[%get3A_355, %get3A_356] {strides = array<i32>} : memref<16x16xf32, #tpu.memory_space<vmem>>, vector<16xf32>,
    %add3A_358 = arith.addf %add3A_343, %get3A_357 : vector<16xf32>
    %get3A_359 = arith.constant 10 : i32
    %get3A_360 = arith.index_cast %get3A_359 : i32 to index
    %get3A_361 = arith.constant 0 : index
    %get3A_362 = tpu.vector_load %arg8[%get3A_360, %get3A_361] {strides = array<i32>} : memref<16x16xf32, #tpu.memory_space<vmem>>, vector<16xf32>,
    %add3A_363 = arith.addf %add3A_348, %get3A_362 : vector<16xf32>
    %get3A_364 = arith.constant 10 : i32
    %get3A_365 = arith.index_cast %get3A_364 : i32 to index
    %get3A_366 = arith.constant 0 : index
    %get3A_367 = tpu.vector_load %arg9[%get3A_365, %get3A_366] {strides = array<i32>} : memref<16x16xf32, #tpu.memory_space<vmem>>, vector<16xf32>,
    %add3A_368 = arith.addf %add3A_353, %get3A_367 : vector<16xf32>
    %get3A_369 = arith.constant 11 : i32
    %get3A_370 = arith.index_cast %get3A_369 : i32 to index
    %get3A_371 = arith.constant 0 : index
    %get3A_372 = tpu.vector_load %arg7[%get3A_370, %get3A_371] {strides = array<i32>} : memref<16x16xf32, #tpu.memory_space<vmem>>, vector<16xf32>,
    %add3A_373 = arith.addf %add3A_358, %get3A_372 : vector<16xf32>
    %get3A_374 = arith.constant 11 : i32
    %get3A_375 = arith.index_cast %get3A_374 : i32 to index
    %get3A_376 = arith.constant 0 : index
    %get3A_377 = tpu.vector_load %arg8[%get3A_375, %get3A_376] {strides = array<i32>} : memref<16x16xf32, #tpu.memory_space<vmem>>, vector<16xf32>,
    %add3A_378 = arith.addf %add3A_363, %get3A_377 : vector<16xf32>
    %get3A_379 = arith.constant 11 : i32
    %get3A_380 = arith.index_cast %get3A_379 : i32 to index
    %get3A_381 = arith.constant 0 : index
    %get3A_382 = tpu.vector_load %arg9[%get3A_380, %get3A_381] {strides = array<i32>} : memref<16x16xf32, #tpu.memory_space<vmem>>, vector<16xf32>,
    %add3A_383 = arith.addf %add3A_368, %get3A_382 : vector<16xf32>
    %get3A_384 = arith.constant 12 : i32
    %get3A_385 = arith.index_cast %get3A_384 : i32 to index
    %get3A_386 = arith.constant 0 : index
    %get3A_387 = tpu.vector_load %arg7[%get3A_385, %get3A_386] {strides = array<i32>} : memref<16x16xf32, #tpu.memory_space<vmem>>, vector<16xf32>,
    %add3A_388 = arith.addf %add3A_373, %get3A_387 : vector<16xf32>
    %get3A_389 = arith.constant 12 : i32
    %get3A_390 = arith.index_cast %get3A_389 : i32 to index
    %get3A_391 = arith.constant 0 : index
    %get3A_392 = tpu.vector_load %arg8[%get3A_390, %get3A_391] {strides = array<i32>} : memref<16x16xf32, #tpu.memory_space<vmem>>, vector<16xf32>,
    %add3A_393 = arith.addf %add3A_378, %get3A_392 : vector<16xf32>
    %get3A_394 = arith.constant 12 : i32
    %get3A_395 = arith.index_cast %get3A_394 : i32 to index
    %get3A_396 = arith.constant 0 : index
    %get3A_397 = tpu.vector_load %arg9[%get3A_395, %get3A_396] {strides = array<i32>} : memref<16x16xf32, #tpu.memory_space<vmem>>, vector<16xf32>,
    %add3A_398 = arith.addf %add3A_383, %get3A_397 : vector<16xf32>
    %get3A_399 = arith.constant 13 : i32
    %get3A_400 = arith.index_cast %get3A_399 : i32 to index
    %get3A_401 = arith.constant 0 : index
    %get3A_402 = tpu.vector_load %arg7[%get3A_400, %get3A_401] {strides = array<i32>} : memref<16x16xf32, #tpu.memory_space<vmem>>, vector<16xf32>,
    %add3A_403 = arith.addf %add3A_388, %get3A_402 : vector<16xf32>
    %get3A_404 = arith.constant 13 : i32
    %get3A_405 = arith.index_cast %get3A_404 : i32 to index
    %get3A_406 = arith.constant 0 : index
    %get3A_407 = tpu.vector_load %arg8[%get3A_405, %get3A_406] {strides = array<i32>} : memref<16x16xf32, #tpu.memory_space<vmem>>, vector<16xf32>,
    %add3A_408 = arith.addf %add3A_393, %get3A_407 : vector<16xf32>
    %get3A_409 = arith.constant 13 : i32
    %get3A_410 = arith.index_cast %get3A_409 : i32 to index
    %get3A_411 = arith.constant 0 : index
    %get3A_412 = tpu.vector_load %arg9[%get3A_410, %get3A_411] {strides = array<i32>} : memref<16x16xf32, #tpu.memory_space<vmem>>, vector<16xf32>,
    %add3A_413 = arith.addf %add3A_398, %get3A_412 : vector<16xf32>
    %get3A_414 = arith.constant 14 : i32
    %get3A_415 = arith.index_cast %get3A_414 : i32 to index
    %get3A_416 = arith.constant 0 : index
    %get3A_417 = tpu.vector_load %arg7[%get3A_415, %get3A_416] {strides = array<i32>} : memref<16x16xf32, #tpu.memory_space<vmem>>, vector<16xf32>,
    %add3A_418 = arith.addf %add3A_403, %get3A_417 : vector<16xf32>
    %get3A_419 = arith.constant 14 : i32
    %get3A_420 = arith.index_cast %get3A_419 : i32 to index
    %get3A_421 = arith.constant 0 : index
    %get3A_422 = tpu.vector_load %arg8[%get3A_420, %get3A_421] {strides = array<i32>} : memref<16x16xf32, #tpu.memory_space<vmem>>, vector<16xf32>,
    %add3A_423 = arith.addf %add3A_408, %get3A_422 : vector<16xf32>
    %get3A_424 = arith.constant 14 : i32
    %get3A_425 = arith.index_cast %get3A_424 : i32 to index
    %get3A_426 = arith.constant 0 : index
    %get3A_427 = tpu.vector_load %arg9[%get3A_425, %get3A_426] {strides = array<i32>} : memref<16x16xf32, #tpu.memory_space<vmem>>, vector<16xf32>,
    %add3A_428 = arith.addf %add3A_413, %get3A_427 : vector<16xf32>
    %get3A_429 = arith.constant 15 : i32
    %get3A_430 = arith.index_cast %get3A_429 : i32 to index
    %get3A_431 = arith.constant 0 : index
    %get3A_432 = tpu.vector_load %arg7[%get3A_430, %get3A_431] {strides = array<i32>} : memref<16x16xf32, #tpu.memory_space<vmem>>, vector<16xf32>,
    %add3A_433 = arith.addf %add3A_418, %get3A_432 : vector<16xf32>
    %get3A_434 = arith.constant 15 : i32
    %get3A_435 = arith.index_cast %get3A_434 : i32 to index
    %get3A_436 = arith.constant 0 : index
    %get3A_437 = tpu.vector_load %arg8[%get3A_435, %get3A_436] {strides = array<i32>} : memref<16x16xf32, #tpu.memory_space<vmem>>, vector<16xf32>,
    %add3A_438 = arith.addf %add3A_423, %get3A_437 : vector<16xf32>
    %get3A_439 = arith.constant 15 : i32
    %get3A_440 = arith.index_cast %get3A_439 : i32 to index
    %get3A_441 = arith.constant 0 : index
    %get3A_442 = tpu.vector_load %arg9[%get3A_440, %get3A_441] {strides = array<i32>} : memref<16x16xf32, #tpu.memory_space<vmem>>, vector<16xf32>,
    %add3A_443 = arith.addf %add3A_428, %get3A_442 : vector<16xf32>
    %swap3A_444 = arith.constant 0 : index
    %swap3A_445 = tpu.vector_load %arg10[%swap3A_444] {strides = array<i32>} : memref<48xf32, #tpu.memory_space<vmem>>, vector<16xf32>,
    tpu.vector_store %arg10[%swap3A_444], %add3A_433 {strides = array<i32>} : memref<48xf32, #tpu.memory_space<vmem>>, vector<16xf32>,
    %swap3A_446 = arith.constant 16 : index
    %swap3A_447 = tpu.vector_load %arg10[%swap3A_446] {strides = array<i32>} : memref<48xf32, #tpu.memory_space<vmem>>, vector<16xf32>,
    tpu.vector_store %arg10[%swap3A_446], %add3A_438 {strides = array<i32>} : memref<48xf32, #tpu.memory_space<vmem>>, vector<16xf32>,
    %swap3A_448 = arith.constant 32 : index
    %swap3A_449 = tpu.vector_load %arg10[%swap3A_448] {strides = array<i32>} : memref<48xf32, #tpu.memory_space<vmem>>, vector<16xf32>,
    tpu.vector_store %arg10[%swap3A_448], %add3A_443 {strides = array<i32>} : memref<48xf32, #tpu.memory_space<vmem>>, vector<16xf32>,
    "tpu.region"() ({
      %run_scoped3A = tpu.sem_alloc : memref<!tpu.dma_semaphore, #tpu.memory_space<semaphore_mem>>
      %dma_start3A = arith.constant 0 : i32
      %dma_start3A_452 = tpu.memref_slice %arg11[%arg1, %dma_start3A] : memref<16x48xf32, #tpu.memory_space<vmem_shared>> -> memref<1x48xf32, #tpu.memory_space<vmem_shared>>
      %dma_start3A_453 = tpu.memref_squeeze %dma_start3A_452 : memref<1x48xf32, #tpu.memory_space<vmem_shared>> -> memref<48xf32, #tpu.memory_space<vmem_shared>>
      %dma_start3A_454 = arith.constant 0 : i32
      %dma_start3A_455 = tpu.memref_slice %arg11[%arg1, %dma_start3A_454] : memref<16x48xf32, #tpu.memory_space<vmem_shared>> -> memref<1x48xf32, #tpu.memory_space<vmem_shared>>
      %dma_start3A_456 = tpu.memref_squeeze %dma_start3A_455 : memref<1x48xf32, #tpu.memory_space<vmem_shared>> -> memref<48xf32, #tpu.memory_space<vmem_shared>>
      tpu.enqueue_dma source(%arg10 : memref<48xf32, #tpu.memory_space<vmem>>) target(%dma_start3A_456 : memref<48xf32, #tpu.memory_space<vmem_shared>>) target_semaphore(%run_scoped3A : memref<!tpu.dma_semaphore, #tpu.memory_space<semaphore_mem>>)
      %dma_wait3A = arith.constant 0 : i32
      %dma_wait3A_457 = tpu.memref_slice %arg11[%arg1, %dma_wait3A] : memref<16x48xf32, #tpu.memory_space<vmem_shared>> -> memref<1x48xf32, #tpu.memory_space<vmem_shared>>
      %dma_wait3A_458 = tpu.memref_squeeze %dma_wait3A_457 : memref<1x48xf32, #tpu.memory_space<vmem_shared>> -> memref<48xf32, #tpu.memory_space<vmem_shared>>
      %dma_wait3A_459 = arith.constant 0 : i32
      %dma_wait3A_460 = tpu.memref_slice %arg11[%arg1, %dma_wait3A_459] : memref<16x48xf32, #tpu.memory_space<vmem_shared>> -> memref<1x48xf32, #tpu.memory_space<vmem_shared>>
      %dma_wait3A_461 = tpu.memref_squeeze %dma_wait3A_460 : memref<1x48xf32, #tpu.memory_space<vmem_shared>> -> memref<48xf32, #tpu.memory_space<vmem_shared>>
      tpu.wait_dma2 semaphore(%run_scoped3A : memref<!tpu.dma_semaphore, #tpu.memory_space<semaphore_mem>>) src(%arg10 : memref<48xf32, #tpu.memory_space<vmem>>) dst(%dma_wait3A_461 : memref<48xf32, #tpu.memory_space<vmem_shared>>)
      tpu.yield
    }) : () -> ()
    %barrier3A = arith.constant 0 : index
    tpu.barrier barrier_id(%barrier3A)
    %eq3A = arith.constant 0 : i32
    %eq3A_450 = arith.cmpi eq, %arg1, %eq3A : i32
    %convert_element_type3A = arith.extui %eq3A_450 : i1 to i32
    %cond3A = arith.constant 0 : i32
    %cond3A_451 = arith.cmpi ne, %convert_element_type3A, %cond3A : i32
    scf.if %cond3A_451 {
      %broadcast_in_dim3A_452 = arith.constant 0.000000e+00 : f32
      %broadcast_in_dim3A_453 = vector.broadcast %broadcast_in_dim3A_452 : f32 to vector<16xf32>
      %broadcast_in_dim3A_454 = arith.constant 0.000000e+00 : f32
      %broadcast_in_dim3A_455 = vector.broadcast %broadcast_in_dim3A_454 : f32 to vector<16xf32>
      %broadcast_in_dim3A_456 = arith.constant 0.000000e+00 : f32
      %broadcast_in_dim3A_457 = vector.broadcast %broadcast_in_dim3A_456 : f32 to vector<16xf32>
      %run_scoped3A = arith.constant 0 : i32
      "tpu.region"() ({
        %run_scoped3A_639 = tpu.sem_alloc : memref<!tpu.dma_semaphore, #tpu.memory_space<semaphore_mem>>
        %dma_start3A = arith.constant 0 : i32
        %dma_start3A_640 = tpu.memref_slice %arg11[%run_scoped3A, %dma_start3A] : memref<16x48xf32, #tpu.memory_space<vmem_shared>> -> memref<1x48xf32, #tpu.memory_space<vmem_shared>>
        %dma_start3A_641 = tpu.memref_squeeze %dma_start3A_640 : memref<1x48xf32, #tpu.memory_space<vmem_shared>> -> memref<48xf32, #tpu.memory_space<vmem_shared>>
        %dma_start3A_642 = arith.constant 0 : i32
        %dma_start3A_643 = tpu.memref_slice %arg11[%run_scoped3A, %dma_start3A_642] : memref<16x48xf32, #tpu.memory_space<vmem_shared>> -> memref<1x48xf32, #tpu.memory_space<vmem_shared>>
        %dma_start3A_644 = tpu.memref_squeeze %dma_start3A_643 : memref<1x48xf32, #tpu.memory_space<vmem_shared>> -> memref<48xf32, #tpu.memory_space<vmem_shared>>
        tpu.enqueue_dma source(%dma_start3A_644 : memref<48xf32, #tpu.memory_space<vmem_shared>>) target(%arg10 : memref<48xf32, #tpu.memory_space<vmem>>) target_semaphore(%run_scoped3A_639 : memref<!tpu.dma_semaphore, #tpu.memory_space<semaphore_mem>>)
        %dma_wait3A = arith.constant 0 : i32
        %dma_wait3A_645 = tpu.memref_slice %arg11[%run_scoped3A, %dma_wait3A] : memref<16x48xf32, #tpu.memory_space<vmem_shared>> -> memref<1x48xf32, #tpu.memory_space<vmem_shared>>
        %dma_wait3A_646 = tpu.memref_squeeze %dma_wait3A_645 : memref<1x48xf32, #tpu.memory_space<vmem_shared>> -> memref<48xf32, #tpu.memory_space<vmem_shared>>
        %dma_wait3A_647 = arith.constant 0 : i32
        %dma_wait3A_648 = tpu.memref_slice %arg11[%run_scoped3A, %dma_wait3A_647] : memref<16x48xf32, #tpu.memory_space<vmem_shared>> -> memref<1x48xf32, #tpu.memory_space<vmem_shared>>
        %dma_wait3A_649 = tpu.memref_squeeze %dma_wait3A_648 : memref<1x48xf32, #tpu.memory_space<vmem_shared>> -> memref<48xf32, #tpu.memory_space<vmem_shared>>
        tpu.wait_dma2 semaphore(%run_scoped3A_639 : memref<!tpu.dma_semaphore, #tpu.memory_space<semaphore_mem>>) src(%dma_wait3A_649 : memref<48xf32, #tpu.memory_space<vmem_shared>>) dst(%arg10 : memref<48xf32, #tpu.memory_space<vmem>>)
        tpu.yield
      }) : () -> ()
      %get3A_458 = arith.constant 0 : index
      %get3A_459 = tpu.vector_load %arg10[%get3A_458] {strides = array<i32>} : memref<48xf32, #tpu.memory_space<vmem>>, vector<16xf32>,
      %add3A_460 = arith.addf %broadcast_in_dim3A_453, %get3A_459 : vector<16xf32>
      %get3A_461 = arith.constant 16 : index
      %get3A_462 = tpu.vector_load %arg10[%get3A_461] {strides = array<i32>} : memref<48xf32, #tpu.memory_space<vmem>>, vector<16xf32>,
      %add3A_463 = arith.addf %broadcast_in_dim3A_455, %get3A_462 : vector<16xf32>
      %get3A_464 = arith.constant 32 : index
      %get3A_465 = tpu.vector_load %arg10[%get3A_464] {strides = array<i32>} : memref<48xf32, #tpu.memory_space<vmem>>, vector<16xf32>,
      %add3A_466 = arith.addf %broadcast_in_dim3A_457, %get3A_465 : vector<16xf32>
      %run_scoped3A_467 = arith.constant 1 : i32
      "tpu.region"() ({
        %run_scoped3A_639 = tpu.sem_alloc : memref<!tpu.dma_semaphore, #tpu.memory_space<semaphore_mem>>
        %dma_start3A = arith.constant 0 : i32
        %dma_start3A_640 = tpu.memref_slice %arg11[%run_scoped3A_467, %dma_start3A] : memref<16x48xf32, #tpu.memory_space<vmem_shared>> -> memref<1x48xf32, #tpu.memory_space<vmem_shared>>
        %dma_start3A_641 = tpu.memref_squeeze %dma_start3A_640 : memref<1x48xf32, #tpu.memory_space<vmem_shared>> -> memref<48xf32, #tpu.memory_space<vmem_shared>>
        %dma_start3A_642 = arith.constant 0 : i32
        %dma_start3A_643 = tpu.memref_slice %arg11[%run_scoped3A_467, %dma_start3A_642] : memref<16x48xf32, #tpu.memory_space<vmem_shared>> -> memref<1x48xf32, #tpu.memory_space<vmem_shared>>
        %dma_start3A_644 = tpu.memref_squeeze %dma_start3A_643 : memref<1x48xf32, #tpu.memory_space<vmem_shared>> -> memref<48xf32, #tpu.memory_space<vmem_shared>>
        tpu.enqueue_dma source(%dma_start3A_644 : memref<48xf32, #tpu.memory_space<vmem_shared>>) target(%arg10 : memref<48xf32, #tpu.memory_space<vmem>>) target_semaphore(%run_scoped3A_639 : memref<!tpu.dma_semaphore, #tpu.memory_space<semaphore_mem>>)
        %dma_wait3A = arith.constant 0 : i32
        %dma_wait3A_645 = tpu.memref_slice %arg11[%run_scoped3A_467, %dma_wait3A] : memref<16x48xf32, #tpu.memory_space<vmem_shared>> -> memref<1x48xf32, #tpu.memory_space<vmem_shared>>
        %dma_wait3A_646 = tpu.memref_squeeze %dma_wait3A_645 : memref<1x48xf32, #tpu.memory_space<vmem_shared>> -> memref<48xf32, #tpu.memory_space<vmem_shared>>
        %dma_wait3A_647 = arith.constant 0 : i32
        %dma_wait3A_648 = tpu.memref_slice %arg11[%run_scoped3A_467, %dma_wait3A_647] : memref<16x48xf32, #tpu.memory_space<vmem_shared>> -> memref<1x48xf32, #tpu.memory_space<vmem_shared>>
        %dma_wait3A_649 = tpu.memref_squeeze %dma_wait3A_648 : memref<1x48xf32, #tpu.memory_space<vmem_shared>> -> memref<48xf32, #tpu.memory_space<vmem_shared>>
        tpu.wait_dma2 semaphore(%run_scoped3A_639 : memref<!tpu.dma_semaphore, #tpu.memory_space<semaphore_mem>>) src(%dma_wait3A_649 : memref<48xf32, #tpu.memory_space<vmem_shared>>) dst(%arg10 : memref<48xf32, #tpu.memory_space<vmem>>)
        tpu.yield
      }) : () -> ()
      %get3A_468 = arith.constant 0 : index
      %get3A_469 = tpu.vector_load %arg10[%get3A_468] {strides = array<i32>} : memref<48xf32, #tpu.memory_space<vmem>>, vector<16xf32>,
      %add3A_470 = arith.addf %add3A_460, %get3A_469 : vector<16xf32>
      %get3A_471 = arith.constant 16 : index
      %get3A_472 = tpu.vector_load %arg10[%get3A_471] {strides = array<i32>} : memref<48xf32, #tpu.memory_space<vmem>>, vector<16xf32>,
      %add3A_473 = arith.addf %add3A_463, %get3A_472 : vector<16xf32>
      %get3A_474 = arith.constant 32 : index
      %get3A_475 = tpu.vector_load %arg10[%get3A_474] {strides = array<i32>} : memref<48xf32, #tpu.memory_space<vmem>>, vector<16xf32>,
      %add3A_476 = arith.addf %add3A_466, %get3A_475 : vector<16xf32>
      %run_scoped3A_477 = arith.constant 2 : i32
      "tpu.region"() ({
        %run_scoped3A_639 = tpu.sem_alloc : memref<!tpu.dma_semaphore, #tpu.memory_space<semaphore_mem>>
        %dma_start3A = arith.constant 0 : i32
        %dma_start3A_640 = tpu.memref_slice %arg11[%run_scoped3A_477, %dma_start3A] : memref<16x48xf32, #tpu.memory_space<vmem_shared>> -> memref<1x48xf32, #tpu.memory_space<vmem_shared>>
        %dma_start3A_641 = tpu.memref_squeeze %dma_start3A_640 : memref<1x48xf32, #tpu.memory_space<vmem_shared>> -> memref<48xf32, #tpu.memory_space<vmem_shared>>
        %dma_start3A_642 = arith.constant 0 : i32
        %dma_start3A_643 = tpu.memref_slice %arg11[%run_scoped3A_477, %dma_start3A_642] : memref<16x48xf32, #tpu.memory_space<vmem_shared>> -> memref<1x48xf32, #tpu.memory_space<vmem_shared>>
        %dma_start3A_644 = tpu.memref_squeeze %dma_start3A_643 : memref<1x48xf32, #tpu.memory_space<vmem_shared>> -> memref<48xf32, #tpu.memory_space<vmem_shared>>
        tpu.enqueue_dma source(%dma_start3A_644 : memref<48xf32, #tpu.memory_space<vmem_shared>>) target(%arg10 : memref<48xf32, #tpu.memory_space<vmem>>) target_semaphore(%run_scoped3A_639 : memref<!tpu.dma_semaphore, #tpu.memory_space<semaphore_mem>>)
        %dma_wait3A = arith.constant 0 : i32
        %dma_wait3A_645 = tpu.memref_slice %arg11[%run_scoped3A_477, %dma_wait3A] : memref<16x48xf32, #tpu.memory_space<vmem_shared>> -> memref<1x48xf32, #tpu.memory_space<vmem_shared>>
        %dma_wait3A_646 = tpu.memref_squeeze %dma_wait3A_645 : memref<1x48xf32, #tpu.memory_space<vmem_shared>> -> memref<48xf32, #tpu.memory_space<vmem_shared>>
        %dma_wait3A_647 = arith.constant 0 : i32
        %dma_wait3A_648 = tpu.memref_slice %arg11[%run_scoped3A_477, %dma_wait3A_647] : memref<16x48xf32, #tpu.memory_space<vmem_shared>> -> memref<1x48xf32, #tpu.memory_space<vmem_shared>>
        %dma_wait3A_649 = tpu.memref_squeeze %dma_wait3A_648 : memref<1x48xf32, #tpu.memory_space<vmem_shared>> -> memref<48xf32, #tpu.memory_space<vmem_shared>>
        tpu.wait_dma2 semaphore(%run_scoped3A_639 : memref<!tpu.dma_semaphore, #tpu.memory_space<semaphore_mem>>) src(%dma_wait3A_649 : memref<48xf32, #tpu.memory_space<vmem_shared>>) dst(%arg10 : memref<48xf32, #tpu.memory_space<vmem>>)
        tpu.yield
      }) : () -> ()
      %get3A_478 = arith.constant 0 : index
      %get3A_479 = tpu.vector_load %arg10[%get3A_478] {strides = array<i32>} : memref<48xf32, #tpu.memory_space<vmem>>, vector<16xf32>,
      %add3A_480 = arith.addf %add3A_470, %get3A_479 : vector<16xf32>
      %get3A_481 = arith.constant 16 : index
      %get3A_482 = tpu.vector_load %arg10[%get3A_481] {strides = array<i32>} : memref<48xf32, #tpu.memory_space<vmem>>, vector<16xf32>,
      %add3A_483 = arith.addf %add3A_473, %get3A_482 : vector<16xf32>
      %get3A_484 = arith.constant 32 : index
      %get3A_485 = tpu.vector_load %arg10[%get3A_484] {strides = array<i32>} : memref<48xf32, #tpu.memory_space<vmem>>, vector<16xf32>,
      %add3A_486 = arith.addf %add3A_476, %get3A_485 : vector<16xf32>
      %run_scoped3A_487 = arith.constant 3 : i32
      "tpu.region"() ({
        %run_scoped3A_639 = tpu.sem_alloc : memref<!tpu.dma_semaphore, #tpu.memory_space<semaphore_mem>>
        %dma_start3A = arith.constant 0 : i32
        %dma_start3A_640 = tpu.memref_slice %arg11[%run_scoped3A_487, %dma_start3A] : memref<16x48xf32, #tpu.memory_space<vmem_shared>> -> memref<1x48xf32, #tpu.memory_space<vmem_shared>>
        %dma_start3A_641 = tpu.memref_squeeze %dma_start3A_640 : memref<1x48xf32, #tpu.memory_space<vmem_shared>> -> memref<48xf32, #tpu.memory_space<vmem_shared>>
        %dma_start3A_642 = arith.constant 0 : i32
        %dma_start3A_643 = tpu.memref_slice %arg11[%run_scoped3A_487, %dma_start3A_642] : memref<16x48xf32, #tpu.memory_space<vmem_shared>> -> memref<1x48xf32, #tpu.memory_space<vmem_shared>>
        %dma_start3A_644 = tpu.memref_squeeze %dma_start3A_643 : memref<1x48xf32, #tpu.memory_space<vmem_shared>> -> memref<48xf32, #tpu.memory_space<vmem_shared>>
        tpu.enqueue_dma source(%dma_start3A_644 : memref<48xf32, #tpu.memory_space<vmem_shared>>) target(%arg10 : memref<48xf32, #tpu.memory_space<vmem>>) target_semaphore(%run_scoped3A_639 : memref<!tpu.dma_semaphore, #tpu.memory_space<semaphore_mem>>)
        %dma_wait3A = arith.constant 0 : i32
        %dma_wait3A_645 = tpu.memref_slice %arg11[%run_scoped3A_487, %dma_wait3A] : memref<16x48xf32, #tpu.memory_space<vmem_shared>> -> memref<1x48xf32, #tpu.memory_space<vmem_shared>>
        %dma_wait3A_646 = tpu.memref_squeeze %dma_wait3A_645 : memref<1x48xf32, #tpu.memory_space<vmem_shared>> -> memref<48xf32, #tpu.memory_space<vmem_shared>>
        %dma_wait3A_647 = arith.constant 0 : i32
        %dma_wait3A_648 = tpu.memref_slice %arg11[%run_scoped3A_487, %dma_wait3A_647] : memref<16x48xf32, #tpu.memory_space<vmem_shared>> -> memref<1x48xf32, #tpu.memory_space<vmem_shared>>
        %dma_wait3A_649 = tpu.memref_squeeze %dma_wait3A_648 : memref<1x48xf32, #tpu.memory_space<vmem_shared>> -> memref<48xf32, #tpu.memory_space<vmem_shared>>
        tpu.wait_dma2 semaphore(%run_scoped3A_639 : memref<!tpu.dma_semaphore, #tpu.memory_space<semaphore_mem>>) src(%dma_wait3A_649 : memref<48xf32, #tpu.memory_space<vmem_shared>>) dst(%arg10 : memref<48xf32, #tpu.memory_space<vmem>>)
        tpu.yield
      }) : () -> ()
      %get3A_488 = arith.constant 0 : index
      %get3A_489 = tpu.vector_load %arg10[%get3A_488] {strides = array<i32>} : memref<48xf32, #tpu.memory_space<vmem>>, vector<16xf32>,
      %add3A_490 = arith.addf %add3A_480, %get3A_489 : vector<16xf32>
      %get3A_491 = arith.constant 16 : index
      %get3A_492 = tpu.vector_load %arg10[%get3A_491] {strides = array<i32>} : memref<48xf32, #tpu.memory_space<vmem>>, vector<16xf32>,
      %add3A_493 = arith.addf %add3A_483, %get3A_492 : vector<16xf32>
      %get3A_494 = arith.constant 32 : index
      %get3A_495 = tpu.vector_load %arg10[%get3A_494] {strides = array<i32>} : memref<48xf32, #tpu.memory_space<vmem>>, vector<16xf32>,
      %add3A_496 = arith.addf %add3A_486, %get3A_495 : vector<16xf32>
      %run_scoped3A_497 = arith.constant 4 : i32
      "tpu.region"() ({
        %run_scoped3A_639 = tpu.sem_alloc : memref<!tpu.dma_semaphore, #tpu.memory_space<semaphore_mem>>
        %dma_start3A = arith.constant 0 : i32
        %dma_start3A_640 = tpu.memref_slice %arg11[%run_scoped3A_497, %dma_start3A] : memref<16x48xf32, #tpu.memory_space<vmem_shared>> -> memref<1x48xf32, #tpu.memory_space<vmem_shared>>
        %dma_start3A_641 = tpu.memref_squeeze %dma_start3A_640 : memref<1x48xf32, #tpu.memory_space<vmem_shared>> -> memref<48xf32, #tpu.memory_space<vmem_shared>>
        %dma_start3A_642 = arith.constant 0 : i32
        %dma_start3A_643 = tpu.memref_slice %arg11[%run_scoped3A_497, %dma_start3A_642] : memref<16x48xf32, #tpu.memory_space<vmem_shared>> -> memref<1x48xf32, #tpu.memory_space<vmem_shared>>
        %dma_start3A_644 = tpu.memref_squeeze %dma_start3A_643 : memref<1x48xf32, #tpu.memory_space<vmem_shared>> -> memref<48xf32, #tpu.memory_space<vmem_shared>>
        tpu.enqueue_dma source(%dma_start3A_644 : memref<48xf32, #tpu.memory_space<vmem_shared>>) target(%arg10 : memref<48xf32, #tpu.memory_space<vmem>>) target_semaphore(%run_scoped3A_639 : memref<!tpu.dma_semaphore, #tpu.memory_space<semaphore_mem>>)
        %dma_wait3A = arith.constant 0 : i32
        %dma_wait3A_645 = tpu.memref_slice %arg11[%run_scoped3A_497, %dma_wait3A] : memref<16x48xf32, #tpu.memory_space<vmem_shared>> -> memref<1x48xf32, #tpu.memory_space<vmem_shared>>
        %dma_wait3A_646 = tpu.memref_squeeze %dma_wait3A_645 : memref<1x48xf32, #tpu.memory_space<vmem_shared>> -> memref<48xf32, #tpu.memory_space<vmem_shared>>
        %dma_wait3A_647 = arith.constant 0 : i32
        %dma_wait3A_648 = tpu.memref_slice %arg11[%run_scoped3A_497, %dma_wait3A_647] : memref<16x48xf32, #tpu.memory_space<vmem_shared>> -> memref<1x48xf32, #tpu.memory_space<vmem_shared>>
        %dma_wait3A_649 = tpu.memref_squeeze %dma_wait3A_648 : memref<1x48xf32, #tpu.memory_space<vmem_shared>> -> memref<48xf32, #tpu.memory_space<vmem_shared>>
        tpu.wait_dma2 semaphore(%run_scoped3A_639 : memref<!tpu.dma_semaphore, #tpu.memory_space<semaphore_mem>>) src(%dma_wait3A_649 : memref<48xf32, #tpu.memory_space<vmem_shared>>) dst(%arg10 : memref<48xf32, #tpu.memory_space<vmem>>)
        tpu.yield
      }) : () -> ()
      %get3A_498 = arith.constant 0 : index
      %get3A_499 = tpu.vector_load %arg10[%get3A_498] {strides = array<i32>} : memref<48xf32, #tpu.memory_space<vmem>>, vector<16xf32>,
      %add3A_500 = arith.addf %add3A_490, %get3A_499 : vector<16xf32>
      %get3A_501 = arith.constant 16 : index
      %get3A_502 = tpu.vector_load %arg10[%get3A_501] {strides = array<i32>} : memref<48xf32, #tpu.memory_space<vmem>>, vector<16xf32>,
      %add3A_503 = arith.addf %add3A_493, %get3A_502 : vector<16xf32>
      %get3A_504 = arith.constant 32 : index
      %get3A_505 = tpu.vector_load %arg10[%get3A_504] {strides = array<i32>} : memref<48xf32, #tpu.memory_space<vmem>>, vector<16xf32>,
      %add3A_506 = arith.addf %add3A_496, %get3A_505 : vector<16xf32>
      %run_scoped3A_507 = arith.constant 5 : i32
      "tpu.region"() ({
        %run_scoped3A_639 = tpu.sem_alloc : memref<!tpu.dma_semaphore, #tpu.memory_space<semaphore_mem>>
        %dma_start3A = arith.constant 0 : i32
        %dma_start3A_640 = tpu.memref_slice %arg11[%run_scoped3A_507, %dma_start3A] : memref<16x48xf32, #tpu.memory_space<vmem_shared>> -> memref<1x48xf32, #tpu.memory_space<vmem_shared>>
        %dma_start3A_641 = tpu.memref_squeeze %dma_start3A_640 : memref<1x48xf32, #tpu.memory_space<vmem_shared>> -> memref<48xf32, #tpu.memory_space<vmem_shared>>
        %dma_start3A_642 = arith.constant 0 : i32
        %dma_start3A_643 = tpu.memref_slice %arg11[%run_scoped3A_507, %dma_start3A_642] : memref<16x48xf32, #tpu.memory_space<vmem_shared>> -> memref<1x48xf32, #tpu.memory_space<vmem_shared>>
        %dma_start3A_644 = tpu.memref_squeeze %dma_start3A_643 : memref<1x48xf32, #tpu.memory_space<vmem_shared>> -> memref<48xf32, #tpu.memory_space<vmem_shared>>
        tpu.enqueue_dma source(%dma_start3A_644 : memref<48xf32, #tpu.memory_space<vmem_shared>>) target(%arg10 : memref<48xf32, #tpu.memory_space<vmem>>) target_semaphore(%run_scoped3A_639 : memref<!tpu.dma_semaphore, #tpu.memory_space<semaphore_mem>>)
        %dma_wait3A = arith.constant 0 : i32
        %dma_wait3A_645 = tpu.memref_slice %arg11[%run_scoped3A_507, %dma_wait3A] : memref<16x48xf32, #tpu.memory_space<vmem_shared>> -> memref<1x48xf32, #tpu.memory_space<vmem_shared>>
        %dma_wait3A_646 = tpu.memref_squeeze %dma_wait3A_645 : memref<1x48xf32, #tpu.memory_space<vmem_shared>> -> memref<48xf32, #tpu.memory_space<vmem_shared>>
        %dma_wait3A_647 = arith.constant 0 : i32
        %dma_wait3A_648 = tpu.memref_slice %arg11[%run_scoped3A_507, %dma_wait3A_647] : memref<16x48xf32, #tpu.memory_space<vmem_shared>> -> memref<1x48xf32, #tpu.memory_space<vmem_shared>>
        %dma_wait3A_649 = tpu.memref_squeeze %dma_wait3A_648 : memref<1x48xf32, #tpu.memory_space<vmem_shared>> -> memref<48xf32, #tpu.memory_space<vmem_shared>>
        tpu.wait_dma2 semaphore(%run_scoped3A_639 : memref<!tpu.dma_semaphore, #tpu.memory_space<semaphore_mem>>) src(%dma_wait3A_649 : memref<48xf32, #tpu.memory_space<vmem_shared>>) dst(%arg10 : memref<48xf32, #tpu.memory_space<vmem>>)
        tpu.yield
      }) : () -> ()
      %get3A_508 = arith.constant 0 : index
      %get3A_509 = tpu.vector_load %arg10[%get3A_508] {strides = array<i32>} : memref<48xf32, #tpu.memory_space<vmem>>, vector<16xf32>,
      %add3A_510 = arith.addf %add3A_500, %get3A_509 : vector<16xf32>
      %get3A_511 = arith.constant 16 : index
      %get3A_512 = tpu.vector_load %arg10[%get3A_511] {strides = array<i32>} : memref<48xf32, #tpu.memory_space<vmem>>, vector<16xf32>,
      %add3A_513 = arith.addf %add3A_503, %get3A_512 : vector<16xf32>
      %get3A_514 = arith.constant 32 : index
      %get3A_515 = tpu.vector_load %arg10[%get3A_514] {strides = array<i32>} : memref<48xf32, #tpu.memory_space<vmem>>, vector<16xf32>,
      %add3A_516 = arith.addf %add3A_506, %get3A_515 : vector<16xf32>
      %run_scoped3A_517 = arith.constant 6 : i32
      "tpu.region"() ({
        %run_scoped3A_639 = tpu.sem_alloc : memref<!tpu.dma_semaphore, #tpu.memory_space<semaphore_mem>>
        %dma_start3A = arith.constant 0 : i32
        %dma_start3A_640 = tpu.memref_slice %arg11[%run_scoped3A_517, %dma_start3A] : memref<16x48xf32, #tpu.memory_space<vmem_shared>> -> memref<1x48xf32, #tpu.memory_space<vmem_shared>>
        %dma_start3A_641 = tpu.memref_squeeze %dma_start3A_640 : memref<1x48xf32, #tpu.memory_space<vmem_shared>> -> memref<48xf32, #tpu.memory_space<vmem_shared>>
        %dma_start3A_642 = arith.constant 0 : i32
        %dma_start3A_643 = tpu.memref_slice %arg11[%run_scoped3A_517, %dma_start3A_642] : memref<16x48xf32, #tpu.memory_space<vmem_shared>> -> memref<1x48xf32, #tpu.memory_space<vmem_shared>>
        %dma_start3A_644 = tpu.memref_squeeze %dma_start3A_643 : memref<1x48xf32, #tpu.memory_space<vmem_shared>> -> memref<48xf32, #tpu.memory_space<vmem_shared>>
        tpu.enqueue_dma source(%dma_start3A_644 : memref<48xf32, #tpu.memory_space<vmem_shared>>) target(%arg10 : memref<48xf32, #tpu.memory_space<vmem>>) target_semaphore(%run_scoped3A_639 : memref<!tpu.dma_semaphore, #tpu.memory_space<semaphore_mem>>)
        %dma_wait3A = arith.constant 0 : i32
        %dma_wait3A_645 = tpu.memref_slice %arg11[%run_scoped3A_517, %dma_wait3A] : memref<16x48xf32, #tpu.memory_space<vmem_shared>> -> memref<1x48xf32, #tpu.memory_space<vmem_shared>>
        %dma_wait3A_646 = tpu.memref_squeeze %dma_wait3A_645 : memref<1x48xf32, #tpu.memory_space<vmem_shared>> -> memref<48xf32, #tpu.memory_space<vmem_shared>>
        %dma_wait3A_647 = arith.constant 0 : i32
        %dma_wait3A_648 = tpu.memref_slice %arg11[%run_scoped3A_517, %dma_wait3A_647] : memref<16x48xf32, #tpu.memory_space<vmem_shared>> -> memref<1x48xf32, #tpu.memory_space<vmem_shared>>
        %dma_wait3A_649 = tpu.memref_squeeze %dma_wait3A_648 : memref<1x48xf32, #tpu.memory_space<vmem_shared>> -> memref<48xf32, #tpu.memory_space<vmem_shared>>
        tpu.wait_dma2 semaphore(%run_scoped3A_639 : memref<!tpu.dma_semaphore, #tpu.memory_space<semaphore_mem>>) src(%dma_wait3A_649 : memref<48xf32, #tpu.memory_space<vmem_shared>>) dst(%arg10 : memref<48xf32, #tpu.memory_space<vmem>>)
        tpu.yield
      }) : () -> ()
      %get3A_518 = arith.constant 0 : index
      %get3A_519 = tpu.vector_load %arg10[%get3A_518] {strides = array<i32>} : memref<48xf32, #tpu.memory_space<vmem>>, vector<16xf32>,
      %add3A_520 = arith.addf %add3A_510, %get3A_519 : vector<16xf32>
      %get3A_521 = arith.constant 16 : index
      %get3A_522 = tpu.vector_load %arg10[%get3A_521] {strides = array<i32>} : memref<48xf32, #tpu.memory_space<vmem>>, vector<16xf32>,
      %add3A_523 = arith.addf %add3A_513, %get3A_522 : vector<16xf32>
      %get3A_524 = arith.constant 32 : index
      %get3A_525 = tpu.vector_load %arg10[%get3A_524] {strides = array<i32>} : memref<48xf32, #tpu.memory_space<vmem>>, vector<16xf32>,
      %add3A_526 = arith.addf %add3A_516, %get3A_525 : vector<16xf32>
      %run_scoped3A_527 = arith.constant 7 : i32
      "tpu.region"() ({
        %run_scoped3A_639 = tpu.sem_alloc : memref<!tpu.dma_semaphore, #tpu.memory_space<semaphore_mem>>
        %dma_start3A = arith.constant 0 : i32
        %dma_start3A_640 = tpu.memref_slice %arg11[%run_scoped3A_527, %dma_start3A] : memref<16x48xf32, #tpu.memory_space<vmem_shared>> -> memref<1x48xf32, #tpu.memory_space<vmem_shared>>
        %dma_start3A_641 = tpu.memref_squeeze %dma_start3A_640 : memref<1x48xf32, #tpu.memory_space<vmem_shared>> -> memref<48xf32, #tpu.memory_space<vmem_shared>>
        %dma_start3A_642 = arith.constant 0 : i32
        %dma_start3A_643 = tpu.memref_slice %arg11[%run_scoped3A_527, %dma_start3A_642] : memref<16x48xf32, #tpu.memory_space<vmem_shared>> -> memref<1x48xf32, #tpu.memory_space<vmem_shared>>
        %dma_start3A_644 = tpu.memref_squeeze %dma_start3A_643 : memref<1x48xf32, #tpu.memory_space<vmem_shared>> -> memref<48xf32, #tpu.memory_space<vmem_shared>>
        tpu.enqueue_dma source(%dma_start3A_644 : memref<48xf32, #tpu.memory_space<vmem_shared>>) target(%arg10 : memref<48xf32, #tpu.memory_space<vmem>>) target_semaphore(%run_scoped3A_639 : memref<!tpu.dma_semaphore, #tpu.memory_space<semaphore_mem>>)
        %dma_wait3A = arith.constant 0 : i32
        %dma_wait3A_645 = tpu.memref_slice %arg11[%run_scoped3A_527, %dma_wait3A] : memref<16x48xf32, #tpu.memory_space<vmem_shared>> -> memref<1x48xf32, #tpu.memory_space<vmem_shared>>
        %dma_wait3A_646 = tpu.memref_squeeze %dma_wait3A_645 : memref<1x48xf32, #tpu.memory_space<vmem_shared>> -> memref<48xf32, #tpu.memory_space<vmem_shared>>
        %dma_wait3A_647 = arith.constant 0 : i32
        %dma_wait3A_648 = tpu.memref_slice %arg11[%run_scoped3A_527, %dma_wait3A_647] : memref<16x48xf32, #tpu.memory_space<vmem_shared>> -> memref<1x48xf32, #tpu.memory_space<vmem_shared>>
        %dma_wait3A_649 = tpu.memref_squeeze %dma_wait3A_648 : memref<1x48xf32, #tpu.memory_space<vmem_shared>> -> memref<48xf32, #tpu.memory_space<vmem_shared>>
        tpu.wait_dma2 semaphore(%run_scoped3A_639 : memref<!tpu.dma_semaphore, #tpu.memory_space<semaphore_mem>>) src(%dma_wait3A_649 : memref<48xf32, #tpu.memory_space<vmem_shared>>) dst(%arg10 : memref<48xf32, #tpu.memory_space<vmem>>)
        tpu.yield
      }) : () -> ()
      %get3A_528 = arith.constant 0 : index
      %get3A_529 = tpu.vector_load %arg10[%get3A_528] {strides = array<i32>} : memref<48xf32, #tpu.memory_space<vmem>>, vector<16xf32>,
      %add3A_530 = arith.addf %add3A_520, %get3A_529 : vector<16xf32>
      %get3A_531 = arith.constant 16 : index
      %get3A_532 = tpu.vector_load %arg10[%get3A_531] {strides = array<i32>} : memref<48xf32, #tpu.memory_space<vmem>>, vector<16xf32>,
      %add3A_533 = arith.addf %add3A_523, %get3A_532 : vector<16xf32>
      %get3A_534 = arith.constant 32 : index
      %get3A_535 = tpu.vector_load %arg10[%get3A_534] {strides = array<i32>} : memref<48xf32, #tpu.memory_space<vmem>>, vector<16xf32>,
      %add3A_536 = arith.addf %add3A_526, %get3A_535 : vector<16xf32>
      %run_scoped3A_537 = arith.constant 8 : i32
      "tpu.region"() ({
        %run_scoped3A_639 = tpu.sem_alloc : memref<!tpu.dma_semaphore, #tpu.memory_space<semaphore_mem>>
        %dma_start3A = arith.constant 0 : i32
        %dma_start3A_640 = tpu.memref_slice %arg11[%run_scoped3A_537, %dma_start3A] : memref<16x48xf32, #tpu.memory_space<vmem_shared>> -> memref<1x48xf32, #tpu.memory_space<vmem_shared>>
        %dma_start3A_641 = tpu.memref_squeeze %dma_start3A_640 : memref<1x48xf32, #tpu.memory_space<vmem_shared>> -> memref<48xf32, #tpu.memory_space<vmem_shared>>
        %dma_start3A_642 = arith.constant 0 : i32
        %dma_start3A_643 = tpu.memref_slice %arg11[%run_scoped3A_537, %dma_start3A_642] : memref<16x48xf32, #tpu.memory_space<vmem_shared>> -> memref<1x48xf32, #tpu.memory_space<vmem_shared>>
        %dma_start3A_644 = tpu.memref_squeeze %dma_start3A_643 : memref<1x48xf32, #tpu.memory_space<vmem_shared>> -> memref<48xf32, #tpu.memory_space<vmem_shared>>
        tpu.enqueue_dma source(%dma_start3A_644 : memref<48xf32, #tpu.memory_space<vmem_shared>>) target(%arg10 : memref<48xf32, #tpu.memory_space<vmem>>) target_semaphore(%run_scoped3A_639 : memref<!tpu.dma_semaphore, #tpu.memory_space<semaphore_mem>>)
        %dma_wait3A = arith.constant 0 : i32
        %dma_wait3A_645 = tpu.memref_slice %arg11[%run_scoped3A_537, %dma_wait3A] : memref<16x48xf32, #tpu.memory_space<vmem_shared>> -> memref<1x48xf32, #tpu.memory_space<vmem_shared>>
        %dma_wait3A_646 = tpu.memref_squeeze %dma_wait3A_645 : memref<1x48xf32, #tpu.memory_space<vmem_shared>> -> memref<48xf32, #tpu.memory_space<vmem_shared>>
        %dma_wait3A_647 = arith.constant 0 : i32
        %dma_wait3A_648 = tpu.memref_slice %arg11[%run_scoped3A_537, %dma_wait3A_647] : memref<16x48xf32, #tpu.memory_space<vmem_shared>> -> memref<1x48xf32, #tpu.memory_space<vmem_shared>>
        %dma_wait3A_649 = tpu.memref_squeeze %dma_wait3A_648 : memref<1x48xf32, #tpu.memory_space<vmem_shared>> -> memref<48xf32, #tpu.memory_space<vmem_shared>>
        tpu.wait_dma2 semaphore(%run_scoped3A_639 : memref<!tpu.dma_semaphore, #tpu.memory_space<semaphore_mem>>) src(%dma_wait3A_649 : memref<48xf32, #tpu.memory_space<vmem_shared>>) dst(%arg10 : memref<48xf32, #tpu.memory_space<vmem>>)
        tpu.yield
      }) : () -> ()
      %get3A_538 = arith.constant 0 : index
      %get3A_539 = tpu.vector_load %arg10[%get3A_538] {strides = array<i32>} : memref<48xf32, #tpu.memory_space<vmem>>, vector<16xf32>,
      %add3A_540 = arith.addf %add3A_530, %get3A_539 : vector<16xf32>
      %get3A_541 = arith.constant 16 : index
      %get3A_542 = tpu.vector_load %arg10[%get3A_541] {strides = array<i32>} : memref<48xf32, #tpu.memory_space<vmem>>, vector<16xf32>,
      %add3A_543 = arith.addf %add3A_533, %get3A_542 : vector<16xf32>
      %get3A_544 = arith.constant 32 : index
      %get3A_545 = tpu.vector_load %arg10[%get3A_544] {strides = array<i32>} : memref<48xf32, #tpu.memory_space<vmem>>, vector<16xf32>,
      %add3A_546 = arith.addf %add3A_536, %get3A_545 : vector<16xf32>
      %run_scoped3A_547 = arith.constant 9 : i32
      "tpu.region"() ({
        %run_scoped3A_639 = tpu.sem_alloc : memref<!tpu.dma_semaphore, #tpu.memory_space<semaphore_mem>>
        %dma_start3A = arith.constant 0 : i32
        %dma_start3A_640 = tpu.memref_slice %arg11[%run_scoped3A_547, %dma_start3A] : memref<16x48xf32, #tpu.memory_space<vmem_shared>> -> memref<1x48xf32, #tpu.memory_space<vmem_shared>>
        %dma_start3A_641 = tpu.memref_squeeze %dma_start3A_640 : memref<1x48xf32, #tpu.memory_space<vmem_shared>> -> memref<48xf32, #tpu.memory_space<vmem_shared>>
        %dma_start3A_642 = arith.constant 0 : i32
        %dma_start3A_643 = tpu.memref_slice %arg11[%run_scoped3A_547, %dma_start3A_642] : memref<16x48xf32, #tpu.memory_space<vmem_shared>> -> memref<1x48xf32, #tpu.memory_space<vmem_shared>>
        %dma_start3A_644 = tpu.memref_squeeze %dma_start3A_643 : memref<1x48xf32, #tpu.memory_space<vmem_shared>> -> memref<48xf32, #tpu.memory_space<vmem_shared>>
        tpu.enqueue_dma source(%dma_start3A_644 : memref<48xf32, #tpu.memory_space<vmem_shared>>) target(%arg10 : memref<48xf32, #tpu.memory_space<vmem>>) target_semaphore(%run_scoped3A_639 : memref<!tpu.dma_semaphore, #tpu.memory_space<semaphore_mem>>)
        %dma_wait3A = arith.constant 0 : i32
        %dma_wait3A_645 = tpu.memref_slice %arg11[%run_scoped3A_547, %dma_wait3A] : memref<16x48xf32, #tpu.memory_space<vmem_shared>> -> memref<1x48xf32, #tpu.memory_space<vmem_shared>>
        %dma_wait3A_646 = tpu.memref_squeeze %dma_wait3A_645 : memref<1x48xf32, #tpu.memory_space<vmem_shared>> -> memref<48xf32, #tpu.memory_space<vmem_shared>>
        %dma_wait3A_647 = arith.constant 0 : i32
        %dma_wait3A_648 = tpu.memref_slice %arg11[%run_scoped3A_547, %dma_wait3A_647] : memref<16x48xf32, #tpu.memory_space<vmem_shared>> -> memref<1x48xf32, #tpu.memory_space<vmem_shared>>
        %dma_wait3A_649 = tpu.memref_squeeze %dma_wait3A_648 : memref<1x48xf32, #tpu.memory_space<vmem_shared>> -> memref<48xf32, #tpu.memory_space<vmem_shared>>
        tpu.wait_dma2 semaphore(%run_scoped3A_639 : memref<!tpu.dma_semaphore, #tpu.memory_space<semaphore_mem>>) src(%dma_wait3A_649 : memref<48xf32, #tpu.memory_space<vmem_shared>>) dst(%arg10 : memref<48xf32, #tpu.memory_space<vmem>>)
        tpu.yield
      }) : () -> ()
      %get3A_548 = arith.constant 0 : index
      %get3A_549 = tpu.vector_load %arg10[%get3A_548] {strides = array<i32>} : memref<48xf32, #tpu.memory_space<vmem>>, vector<16xf32>,
      %add3A_550 = arith.addf %add3A_540, %get3A_549 : vector<16xf32>
      %get3A_551 = arith.constant 16 : index
      %get3A_552 = tpu.vector_load %arg10[%get3A_551] {strides = array<i32>} : memref<48xf32, #tpu.memory_space<vmem>>, vector<16xf32>,
      %add3A_553 = arith.addf %add3A_543, %get3A_552 : vector<16xf32>
      %get3A_554 = arith.constant 32 : index
      %get3A_555 = tpu.vector_load %arg10[%get3A_554] {strides = array<i32>} : memref<48xf32, #tpu.memory_space<vmem>>, vector<16xf32>,
      %add3A_556 = arith.addf %add3A_546, %get3A_555 : vector<16xf32>
      %run_scoped3A_557 = arith.constant 10 : i32
      "tpu.region"() ({
        %run_scoped3A_639 = tpu.sem_alloc : memref<!tpu.dma_semaphore, #tpu.memory_space<semaphore_mem>>
        %dma_start3A = arith.constant 0 : i32
        %dma_start3A_640 = tpu.memref_slice %arg11[%run_scoped3A_557, %dma_start3A] : memref<16x48xf32, #tpu.memory_space<vmem_shared>> -> memref<1x48xf32, #tpu.memory_space<vmem_shared>>
        %dma_start3A_641 = tpu.memref_squeeze %dma_start3A_640 : memref<1x48xf32, #tpu.memory_space<vmem_shared>> -> memref<48xf32, #tpu.memory_space<vmem_shared>>
        %dma_start3A_642 = arith.constant 0 : i32
        %dma_start3A_643 = tpu.memref_slice %arg11[%run_scoped3A_557, %dma_start3A_642] : memref<16x48xf32, #tpu.memory_space<vmem_shared>> -> memref<1x48xf32, #tpu.memory_space<vmem_shared>>
        %dma_start3A_644 = tpu.memref_squeeze %dma_start3A_643 : memref<1x48xf32, #tpu.memory_space<vmem_shared>> -> memref<48xf32, #tpu.memory_space<vmem_shared>>
        tpu.enqueue_dma source(%dma_start3A_644 : memref<48xf32, #tpu.memory_space<vmem_shared>>) target(%arg10 : memref<48xf32, #tpu.memory_space<vmem>>) target_semaphore(%run_scoped3A_639 : memref<!tpu.dma_semaphore, #tpu.memory_space<semaphore_mem>>)
        %dma_wait3A = arith.constant 0 : i32
        %dma_wait3A_645 = tpu.memref_slice %arg11[%run_scoped3A_557, %dma_wait3A] : memref<16x48xf32, #tpu.memory_space<vmem_shared>> -> memref<1x48xf32, #tpu.memory_space<vmem_shared>>
        %dma_wait3A_646 = tpu.memref_squeeze %dma_wait3A_645 : memref<1x48xf32, #tpu.memory_space<vmem_shared>> -> memref<48xf32, #tpu.memory_space<vmem_shared>>
        %dma_wait3A_647 = arith.constant 0 : i32
        %dma_wait3A_648 = tpu.memref_slice %arg11[%run_scoped3A_557, %dma_wait3A_647] : memref<16x48xf32, #tpu.memory_space<vmem_shared>> -> memref<1x48xf32, #tpu.memory_space<vmem_shared>>
        %dma_wait3A_649 = tpu.memref_squeeze %dma_wait3A_648 : memref<1x48xf32, #tpu.memory_space<vmem_shared>> -> memref<48xf32, #tpu.memory_space<vmem_shared>>
        tpu.wait_dma2 semaphore(%run_scoped3A_639 : memref<!tpu.dma_semaphore, #tpu.memory_space<semaphore_mem>>) src(%dma_wait3A_649 : memref<48xf32, #tpu.memory_space<vmem_shared>>) dst(%arg10 : memref<48xf32, #tpu.memory_space<vmem>>)
        tpu.yield
      }) : () -> ()
      %get3A_558 = arith.constant 0 : index
      %get3A_559 = tpu.vector_load %arg10[%get3A_558] {strides = array<i32>} : memref<48xf32, #tpu.memory_space<vmem>>, vector<16xf32>,
      %add3A_560 = arith.addf %add3A_550, %get3A_559 : vector<16xf32>
      %get3A_561 = arith.constant 16 : index
      %get3A_562 = tpu.vector_load %arg10[%get3A_561] {strides = array<i32>} : memref<48xf32, #tpu.memory_space<vmem>>, vector<16xf32>,
      %add3A_563 = arith.addf %add3A_553, %get3A_562 : vector<16xf32>
      %get3A_564 = arith.constant 32 : index
      %get3A_565 = tpu.vector_load %arg10[%get3A_564] {strides = array<i32>} : memref<48xf32, #tpu.memory_space<vmem>>, vector<16xf32>,
      %add3A_566 = arith.addf %add3A_556, %get3A_565 : vector<16xf32>
      %run_scoped3A_567 = arith.constant 11 : i32
      "tpu.region"() ({
        %run_scoped3A_639 = tpu.sem_alloc : memref<!tpu.dma_semaphore, #tpu.memory_space<semaphore_mem>>
        %dma_start3A = arith.constant 0 : i32
        %dma_start3A_640 = tpu.memref_slice %arg11[%run_scoped3A_567, %dma_start3A] : memref<16x48xf32, #tpu.memory_space<vmem_shared>> -> memref<1x48xf32, #tpu.memory_space<vmem_shared>>
        %dma_start3A_641 = tpu.memref_squeeze %dma_start3A_640 : memref<1x48xf32, #tpu.memory_space<vmem_shared>> -> memref<48xf32, #tpu.memory_space<vmem_shared>>
        %dma_start3A_642 = arith.constant 0 : i32
        %dma_start3A_643 = tpu.memref_slice %arg11[%run_scoped3A_567, %dma_start3A_642] : memref<16x48xf32, #tpu.memory_space<vmem_shared>> -> memref<1x48xf32, #tpu.memory_space<vmem_shared>>
        %dma_start3A_644 = tpu.memref_squeeze %dma_start3A_643 : memref<1x48xf32, #tpu.memory_space<vmem_shared>> -> memref<48xf32, #tpu.memory_space<vmem_shared>>
        tpu.enqueue_dma source(%dma_start3A_644 : memref<48xf32, #tpu.memory_space<vmem_shared>>) target(%arg10 : memref<48xf32, #tpu.memory_space<vmem>>) target_semaphore(%run_scoped3A_639 : memref<!tpu.dma_semaphore, #tpu.memory_space<semaphore_mem>>)
        %dma_wait3A = arith.constant 0 : i32
        %dma_wait3A_645 = tpu.memref_slice %arg11[%run_scoped3A_567, %dma_wait3A] : memref<16x48xf32, #tpu.memory_space<vmem_shared>> -> memref<1x48xf32, #tpu.memory_space<vmem_shared>>
        %dma_wait3A_646 = tpu.memref_squeeze %dma_wait3A_645 : memref<1x48xf32, #tpu.memory_space<vmem_shared>> -> memref<48xf32, #tpu.memory_space<vmem_shared>>
        %dma_wait3A_647 = arith.constant 0 : i32
        %dma_wait3A_648 = tpu.memref_slice %arg11[%run_scoped3A_567, %dma_wait3A_647] : memref<16x48xf32, #tpu.memory_space<vmem_shared>> -> memref<1x48xf32, #tpu.memory_space<vmem_shared>>
        %dma_wait3A_649 = tpu.memref_squeeze %dma_wait3A_648 : memref<1x48xf32, #tpu.memory_space<vmem_shared>> -> memref<48xf32, #tpu.memory_space<vmem_shared>>
        tpu.wait_dma2 semaphore(%run_scoped3A_639 : memref<!tpu.dma_semaphore, #tpu.memory_space<semaphore_mem>>) src(%dma_wait3A_649 : memref<48xf32, #tpu.memory_space<vmem_shared>>) dst(%arg10 : memref<48xf32, #tpu.memory_space<vmem>>)
        tpu.yield
      }) : () -> ()
      %get3A_568 = arith.constant 0 : index
      %get3A_569 = tpu.vector_load %arg10[%get3A_568] {strides = array<i32>} : memref<48xf32, #tpu.memory_space<vmem>>, vector<16xf32>,
      %add3A_570 = arith.addf %add3A_560, %get3A_569 : vector<16xf32>
      %get3A_571 = arith.constant 16 : index
      %get3A_572 = tpu.vector_load %arg10[%get3A_571] {strides = array<i32>} : memref<48xf32, #tpu.memory_space<vmem>>, vector<16xf32>,
      %add3A_573 = arith.addf %add3A_563, %get3A_572 : vector<16xf32>
      %get3A_574 = arith.constant 32 : index
      %get3A_575 = tpu.vector_load %arg10[%get3A_574] {strides = array<i32>} : memref<48xf32, #tpu.memory_space<vmem>>, vector<16xf32>,
      %add3A_576 = arith.addf %add3A_566, %get3A_575 : vector<16xf32>
      %run_scoped3A_577 = arith.constant 12 : i32
      "tpu.region"() ({
        %run_scoped3A_639 = tpu.sem_alloc : memref<!tpu.dma_semaphore, #tpu.memory_space<semaphore_mem>>
        %dma_start3A = arith.constant 0 : i32
        %dma_start3A_640 = tpu.memref_slice %arg11[%run_scoped3A_577, %dma_start3A] : memref<16x48xf32, #tpu.memory_space<vmem_shared>> -> memref<1x48xf32, #tpu.memory_space<vmem_shared>>
        %dma_start3A_641 = tpu.memref_squeeze %dma_start3A_640 : memref<1x48xf32, #tpu.memory_space<vmem_shared>> -> memref<48xf32, #tpu.memory_space<vmem_shared>>
        %dma_start3A_642 = arith.constant 0 : i32
        %dma_start3A_643 = tpu.memref_slice %arg11[%run_scoped3A_577, %dma_start3A_642] : memref<16x48xf32, #tpu.memory_space<vmem_shared>> -> memref<1x48xf32, #tpu.memory_space<vmem_shared>>
        %dma_start3A_644 = tpu.memref_squeeze %dma_start3A_643 : memref<1x48xf32, #tpu.memory_space<vmem_shared>> -> memref<48xf32, #tpu.memory_space<vmem_shared>>
        tpu.enqueue_dma source(%dma_start3A_644 : memref<48xf32, #tpu.memory_space<vmem_shared>>) target(%arg10 : memref<48xf32, #tpu.memory_space<vmem>>) target_semaphore(%run_scoped3A_639 : memref<!tpu.dma_semaphore, #tpu.memory_space<semaphore_mem>>)
        %dma_wait3A = arith.constant 0 : i32
        %dma_wait3A_645 = tpu.memref_slice %arg11[%run_scoped3A_577, %dma_wait3A] : memref<16x48xf32, #tpu.memory_space<vmem_shared>> -> memref<1x48xf32, #tpu.memory_space<vmem_shared>>
        %dma_wait3A_646 = tpu.memref_squeeze %dma_wait3A_645 : memref<1x48xf32, #tpu.memory_space<vmem_shared>> -> memref<48xf32, #tpu.memory_space<vmem_shared>>
        %dma_wait3A_647 = arith.constant 0 : i32
        %dma_wait3A_648 = tpu.memref_slice %arg11[%run_scoped3A_577, %dma_wait3A_647] : memref<16x48xf32, #tpu.memory_space<vmem_shared>> -> memref<1x48xf32, #tpu.memory_space<vmem_shared>>
        %dma_wait3A_649 = tpu.memref_squeeze %dma_wait3A_648 : memref<1x48xf32, #tpu.memory_space<vmem_shared>> -> memref<48xf32, #tpu.memory_space<vmem_shared>>
        tpu.wait_dma2 semaphore(%run_scoped3A_639 : memref<!tpu.dma_semaphore, #tpu.memory_space<semaphore_mem>>) src(%dma_wait3A_649 : memref<48xf32, #tpu.memory_space<vmem_shared>>) dst(%arg10 : memref<48xf32, #tpu.memory_space<vmem>>)
        tpu.yield
      }) : () -> ()
      %get3A_578 = arith.constant 0 : index
      %get3A_579 = tpu.vector_load %arg10[%get3A_578] {strides = array<i32>} : memref<48xf32, #tpu.memory_space<vmem>>, vector<16xf32>,
      %add3A_580 = arith.addf %add3A_570, %get3A_579 : vector<16xf32>
      %get3A_581 = arith.constant 16 : index
      %get3A_582 = tpu.vector_load %arg10[%get3A_581] {strides = array<i32>} : memref<48xf32, #tpu.memory_space<vmem>>, vector<16xf32>,
      %add3A_583 = arith.addf %add3A_573, %get3A_582 : vector<16xf32>
      %get3A_584 = arith.constant 32 : index
      %get3A_585 = tpu.vector_load %arg10[%get3A_584] {strides = array<i32>} : memref<48xf32, #tpu.memory_space<vmem>>, vector<16xf32>,
      %add3A_586 = arith.addf %add3A_576, %get3A_585 : vector<16xf32>
      %run_scoped3A_587 = arith.constant 13 : i32
      "tpu.region"() ({
        %run_scoped3A_639 = tpu.sem_alloc : memref<!tpu.dma_semaphore, #tpu.memory_space<semaphore_mem>>
        %dma_start3A = arith.constant 0 : i32
        %dma_start3A_640 = tpu.memref_slice %arg11[%run_scoped3A_587, %dma_start3A] : memref<16x48xf32, #tpu.memory_space<vmem_shared>> -> memref<1x48xf32, #tpu.memory_space<vmem_shared>>
        %dma_start3A_641 = tpu.memref_squeeze %dma_start3A_640 : memref<1x48xf32, #tpu.memory_space<vmem_shared>> -> memref<48xf32, #tpu.memory_space<vmem_shared>>
        %dma_start3A_642 = arith.constant 0 : i32
        %dma_start3A_643 = tpu.memref_slice %arg11[%run_scoped3A_587, %dma_start3A_642] : memref<16x48xf32, #tpu.memory_space<vmem_shared>> -> memref<1x48xf32, #tpu.memory_space<vmem_shared>>
        %dma_start3A_644 = tpu.memref_squeeze %dma_start3A_643 : memref<1x48xf32, #tpu.memory_space<vmem_shared>> -> memref<48xf32, #tpu.memory_space<vmem_shared>>
        tpu.enqueue_dma source(%dma_start3A_644 : memref<48xf32, #tpu.memory_space<vmem_shared>>) target(%arg10 : memref<48xf32, #tpu.memory_space<vmem>>) target_semaphore(%run_scoped3A_639 : memref<!tpu.dma_semaphore, #tpu.memory_space<semaphore_mem>>)
        %dma_wait3A = arith.constant 0 : i32
        %dma_wait3A_645 = tpu.memref_slice %arg11[%run_scoped3A_587, %dma_wait3A] : memref<16x48xf32, #tpu.memory_space<vmem_shared>> -> memref<1x48xf32, #tpu.memory_space<vmem_shared>>
        %dma_wait3A_646 = tpu.memref_squeeze %dma_wait3A_645 : memref<1x48xf32, #tpu.memory_space<vmem_shared>> -> memref<48xf32, #tpu.memory_space<vmem_shared>>
        %dma_wait3A_647 = arith.constant 0 : i32
        %dma_wait3A_648 = tpu.memref_slice %arg11[%run_scoped3A_587, %dma_wait3A_647] : memref<16x48xf32, #tpu.memory_space<vmem_shared>> -> memref<1x48xf32, #tpu.memory_space<vmem_shared>>
        %dma_wait3A_649 = tpu.memref_squeeze %dma_wait3A_648 : memref<1x48xf32, #tpu.memory_space<vmem_shared>> -> memref<48xf32, #tpu.memory_space<vmem_shared>>
        tpu.wait_dma2 semaphore(%run_scoped3A_639 : memref<!tpu.dma_semaphore, #tpu.memory_space<semaphore_mem>>) src(%dma_wait3A_649 : memref<48xf32, #tpu.memory_space<vmem_shared>>) dst(%arg10 : memref<48xf32, #tpu.memory_space<vmem>>)
        tpu.yield
      }) : () -> ()
      %get3A_588 = arith.constant 0 : index
      %get3A_589 = tpu.vector_load %arg10[%get3A_588] {strides = array<i32>} : memref<48xf32, #tpu.memory_space<vmem>>, vector<16xf32>,
      %add3A_590 = arith.addf %add3A_580, %get3A_589 : vector<16xf32>
      %get3A_591 = arith.constant 16 : index
      %get3A_592 = tpu.vector_load %arg10[%get3A_591] {strides = array<i32>} : memref<48xf32, #tpu.memory_space<vmem>>, vector<16xf32>,
      %add3A_593 = arith.addf %add3A_583, %get3A_592 : vector<16xf32>
      %get3A_594 = arith.constant 32 : index
      %get3A_595 = tpu.vector_load %arg10[%get3A_594] {strides = array<i32>} : memref<48xf32, #tpu.memory_space<vmem>>, vector<16xf32>,
      %add3A_596 = arith.addf %add3A_586, %get3A_595 : vector<16xf32>
      %run_scoped3A_597 = arith.constant 14 : i32
      "tpu.region"() ({
        %run_scoped3A_639 = tpu.sem_alloc : memref<!tpu.dma_semaphore, #tpu.memory_space<semaphore_mem>>
        %dma_start3A = arith.constant 0 : i32
        %dma_start3A_640 = tpu.memref_slice %arg11[%run_scoped3A_597, %dma_start3A] : memref<16x48xf32, #tpu.memory_space<vmem_shared>> -> memref<1x48xf32, #tpu.memory_space<vmem_shared>>
        %dma_start3A_641 = tpu.memref_squeeze %dma_start3A_640 : memref<1x48xf32, #tpu.memory_space<vmem_shared>> -> memref<48xf32, #tpu.memory_space<vmem_shared>>
        %dma_start3A_642 = arith.constant 0 : i32
        %dma_start3A_643 = tpu.memref_slice %arg11[%run_scoped3A_597, %dma_start3A_642] : memref<16x48xf32, #tpu.memory_space<vmem_shared>> -> memref<1x48xf32, #tpu.memory_space<vmem_shared>>
        %dma_start3A_644 = tpu.memref_squeeze %dma_start3A_643 : memref<1x48xf32, #tpu.memory_space<vmem_shared>> -> memref<48xf32, #tpu.memory_space<vmem_shared>>
        tpu.enqueue_dma source(%dma_start3A_644 : memref<48xf32, #tpu.memory_space<vmem_shared>>) target(%arg10 : memref<48xf32, #tpu.memory_space<vmem>>) target_semaphore(%run_scoped3A_639 : memref<!tpu.dma_semaphore, #tpu.memory_space<semaphore_mem>>)
        %dma_wait3A = arith.constant 0 : i32
        %dma_wait3A_645 = tpu.memref_slice %arg11[%run_scoped3A_597, %dma_wait3A] : memref<16x48xf32, #tpu.memory_space<vmem_shared>> -> memref<1x48xf32, #tpu.memory_space<vmem_shared>>
        %dma_wait3A_646 = tpu.memref_squeeze %dma_wait3A_645 : memref<1x48xf32, #tpu.memory_space<vmem_shared>> -> memref<48xf32, #tpu.memory_space<vmem_shared>>
        %dma_wait3A_647 = arith.constant 0 : i32
        %dma_wait3A_648 = tpu.memref_slice %arg11[%run_scoped3A_597, %dma_wait3A_647] : memref<16x48xf32, #tpu.memory_space<vmem_shared>> -> memref<1x48xf32, #tpu.memory_space<vmem_shared>>
        %dma_wait3A_649 = tpu.memref_squeeze %dma_wait3A_648 : memref<1x48xf32, #tpu.memory_space<vmem_shared>> -> memref<48xf32, #tpu.memory_space<vmem_shared>>
        tpu.wait_dma2 semaphore(%run_scoped3A_639 : memref<!tpu.dma_semaphore, #tpu.memory_space<semaphore_mem>>) src(%dma_wait3A_649 : memref<48xf32, #tpu.memory_space<vmem_shared>>) dst(%arg10 : memref<48xf32, #tpu.memory_space<vmem>>)
        tpu.yield
      }) : () -> ()
      %get3A_598 = arith.constant 0 : index
      %get3A_599 = tpu.vector_load %arg10[%get3A_598] {strides = array<i32>} : memref<48xf32, #tpu.memory_space<vmem>>, vector<16xf32>,
      %add3A_600 = arith.addf %add3A_590, %get3A_599 : vector<16xf32>
      %get3A_601 = arith.constant 16 : index
      %get3A_602 = tpu.vector_load %arg10[%get3A_601] {strides = array<i32>} : memref<48xf32, #tpu.memory_space<vmem>>, vector<16xf32>,
      %add3A_603 = arith.addf %add3A_593, %get3A_602 : vector<16xf32>
      %get3A_604 = arith.constant 32 : index
      %get3A_605 = tpu.vector_load %arg10[%get3A_604] {strides = array<i32>} : memref<48xf32, #tpu.memory_space<vmem>>, vector<16xf32>,
      %add3A_606 = arith.addf %add3A_596, %get3A_605 : vector<16xf32>
      %run_scoped3A_607 = arith.constant 15 : i32
      "tpu.region"() ({
        %run_scoped3A_639 = tpu.sem_alloc : memref<!tpu.dma_semaphore, #tpu.memory_space<semaphore_mem>>
        %dma_start3A = arith.constant 0 : i32
        %dma_start3A_640 = tpu.memref_slice %arg11[%run_scoped3A_607, %dma_start3A] : memref<16x48xf32, #tpu.memory_space<vmem_shared>> -> memref<1x48xf32, #tpu.memory_space<vmem_shared>>
        %dma_start3A_641 = tpu.memref_squeeze %dma_start3A_640 : memref<1x48xf32, #tpu.memory_space<vmem_shared>> -> memref<48xf32, #tpu.memory_space<vmem_shared>>
        %dma_start3A_642 = arith.constant 0 : i32
        %dma_start3A_643 = tpu.memref_slice %arg11[%run_scoped3A_607, %dma_start3A_642] : memref<16x48xf32, #tpu.memory_space<vmem_shared>> -> memref<1x48xf32, #tpu.memory_space<vmem_shared>>
        %dma_start3A_644 = tpu.memref_squeeze %dma_start3A_643 : memref<1x48xf32, #tpu.memory_space<vmem_shared>> -> memref<48xf32, #tpu.memory_space<vmem_shared>>
        tpu.enqueue_dma source(%dma_start3A_644 : memref<48xf32, #tpu.memory_space<vmem_shared>>) target(%arg10 : memref<48xf32, #tpu.memory_space<vmem>>) target_semaphore(%run_scoped3A_639 : memref<!tpu.dma_semaphore, #tpu.memory_space<semaphore_mem>>)
        %dma_wait3A = arith.constant 0 : i32
        %dma_wait3A_645 = tpu.memref_slice %arg11[%run_scoped3A_607, %dma_wait3A] : memref<16x48xf32, #tpu.memory_space<vmem_shared>> -> memref<1x48xf32, #tpu.memory_space<vmem_shared>>
        %dma_wait3A_646 = tpu.memref_squeeze %dma_wait3A_645 : memref<1x48xf32, #tpu.memory_space<vmem_shared>> -> memref<48xf32, #tpu.memory_space<vmem_shared>>
        %dma_wait3A_647 = arith.constant 0 : i32
        %dma_wait3A_648 = tpu.memref_slice %arg11[%run_scoped3A_607, %dma_wait3A_647] : memref<16x48xf32, #tpu.memory_space<vmem_shared>> -> memref<1x48xf32, #tpu.memory_space<vmem_shared>>
        %dma_wait3A_649 = tpu.memref_squeeze %dma_wait3A_648 : memref<1x48xf32, #tpu.memory_space<vmem_shared>> -> memref<48xf32, #tpu.memory_space<vmem_shared>>
        tpu.wait_dma2 semaphore(%run_scoped3A_639 : memref<!tpu.dma_semaphore, #tpu.memory_space<semaphore_mem>>) src(%dma_wait3A_649 : memref<48xf32, #tpu.memory_space<vmem_shared>>) dst(%arg10 : memref<48xf32, #tpu.memory_space<vmem>>)
        tpu.yield
      }) : () -> ()
      %get3A_608 = arith.constant 0 : index
      %get3A_609 = tpu.vector_load %arg10[%get3A_608] {strides = array<i32>} : memref<48xf32, #tpu.memory_space<vmem>>, vector<16xf32>,
      %add3A_610 = arith.addf %add3A_600, %get3A_609 : vector<16xf32>
      %get3A_611 = arith.constant 16 : index
      %get3A_612 = tpu.vector_load %arg10[%get3A_611] {strides = array<i32>} : memref<48xf32, #tpu.memory_space<vmem>>, vector<16xf32>,
      %add3A_613 = arith.addf %add3A_603, %get3A_612 : vector<16xf32>
      %get3A_614 = arith.constant 32 : index
      %get3A_615 = tpu.vector_load %arg10[%get3A_614] {strides = array<i32>} : memref<48xf32, #tpu.memory_space<vmem>>, vector<16xf32>,
      %add3A_616 = arith.addf %add3A_606, %get3A_615 : vector<16xf32>
      %broadcast_in_dim3A_617 = arith.constant 1.000000e+00 : f32
      %broadcast_in_dim3A_618 = vector.broadcast %broadcast_in_dim3A_617 : f32 to vector<16xf32>
      %max3A = arith.maximumf %add3A_610, %broadcast_in_dim3A_618 : vector<16xf32>
      %div3A = arith.divf %add3A_613, %max3A : vector<16xf32>
      %div3A_619 = arith.divf %add3A_616, %max3A : vector<16xf32>
      %sub3A = arith.subf %div3A, %div3A_619 : vector<16xf32>
      %abs3A = math.absf %sub3A : vector<16xf32>
      %mul3A_620 = arith.constant 9.99999974E-6 : f32
      %mul3A_621 = vector.broadcast %mul3A_620 : f32 to vector<16xf32>
      %mul3A_622 = arith.mulf %add3A_610, %mul3A_621 : vector<16xf32>
      %mul3A_623 = arith.mulf %abs3A, %mul3A_622 : vector<16xf32>
      %broadcast_in_dim3A_624 = arith.constant 0.000000e+00 : f32
      %broadcast_in_dim3A_625 = vector.broadcast %broadcast_in_dim3A_624 : f32 to vector<16xf32>
      %gt3A = arith.cmpf ogt, %add3A_610, %broadcast_in_dim3A_625 : vector<16xf32>
      %broadcast_in_dim3A_626 = arith.constant 0.000000e+00 : f32
      %broadcast_in_dim3A_627 = vector.broadcast %broadcast_in_dim3A_626 : f32 to vector<16xf32>
      %select_n3A = arith.select %gt3A, %mul3A_623, %broadcast_in_dim3A_627 : vector<16xi1>, vector<16xf32>
      %reduce_sum3A = arith.constant true
      %reduce_sum3A_628 = vector.broadcast %reduce_sum3A : i1 to vector<16xi1>
      %reduce_sum3A_629 = tpu.scan <sum>, %select_n3A masked %reduce_sum3A_628 : vector<16xf32>, vector<16xi1> -> vector<16xf32>
      %reduce_sum3A_630 = vector.extract %reduce_sum3A_629[15] : f32 from vector<16xf32>
      %eq3A_631 = arith.constant 0 : i32
      %eq3A_632 = vector.broadcast %eq3A_631 : i32 to vector<16xi32>
      %eq3A_633 = arith.cmpi eq, %iota3A, %eq3A_632 : vector<16xi32>
      %jit3A = arith.constant 0.000000e+00 : f32
      %broadcast_in_dim3A_634 = vector.broadcast %reduce_sum3A_630 : f32 to vector<16xf32>
      %broadcast_in_dim3A_635 = vector.broadcast %jit3A : f32 to vector<16xf32>
      %select_n3A_636 = arith.select %eq3A_633, %broadcast_in_dim3A_634, %broadcast_in_dim3A_635 : vector<16xi1>, vector<16xf32>
      %swap3A_637 = arith.constant 0 : index
      %swap3A_638 = tpu.vector_load %arg12[%swap3A_637] {strides = array<i32>} : memref<16xf32, #tpu.memory_space<vmem>>, vector<16xf32>,
      tpu.vector_store %arg12[%swap3A_637], %select_n3A_636 {strides = array<i32>} : memref<16xf32, #tpu.memory_space<vmem>>, vector<16xf32>,
      "tpu.region"() ({
        %run_scoped3A_639 = tpu.sem_alloc : memref<!tpu.dma_semaphore, #tpu.memory_space<semaphore_mem>>
        tpu.enqueue_dma source(%arg12 : memref<16xf32, #tpu.memory_space<vmem>>) target(%arg4 : memref<16xf32, #tpu.memory_space<hbm>>) target_semaphore(%run_scoped3A_639 : memref<!tpu.dma_semaphore, #tpu.memory_space<semaphore_mem>>)
        tpu.wait_dma2 semaphore(%run_scoped3A_639 : memref<!tpu.dma_semaphore, #tpu.memory_space<semaphore_mem>>) src(%arg12 : memref<16xf32, #tpu.memory_space<vmem>>) dst(%arg4 : memref<16xf32, #tpu.memory_space<hbm>>)
        tpu.yield
      }) : () -> ()
    } else {
    }
    return
  }
}

module attributes {stable_mosaic.version = 14 : i64} {
  func.func @_tc_body(%arg0: i32, %arg1: memref<1000x1000xf32, #tpu.memory_space<vmem>>, %arg2: memref<1x1000x1xi32, #tpu.memory_space<vmem>>, %arg3: memref<1000x1xf32, #tpu.memory_space<vmem>>, %arg4: memref<1000x1xf32, #tpu.memory_space<vmem>>) attributes {dimension_semantics = [#tpu.dimension_semantics<arbitrary>], iteration_bounds = array<i64: 100>, scalar_prefetch = 0 : i64, scratch_operands = 0 : i64, tpu.core_type = #tpu.core_type<tc>, window_params = [{transform_indices = @transform_0, window_bounds = array<i64: 1000, 1000>}, {transform_indices = @transform_1, window_bounds = array<i64: 1, 1000, 1>}, {transform_indices = @transform_2, window_bounds = array<i64: 1000, 1>}, {transform_indices = @transform_3, window_bounds = array<i64: 1000, 1>}]} {
    %get3A = arith.constant 0 : index
    %get3A_0 = arith.constant 0 : index
    %get3A_1 = vector.load %arg1[%get3A, %get3A_0] : memref<1000x1000xf32, #tpu.memory_space<vmem>>, vector<1000x1000xf32>
    %get3A_2 = arith.constant 0 : index
    %get3A_3 = arith.constant 0 : index
    %get3A_4 = arith.constant 0 : index
    %get3A_5 = vector.load %arg2[%get3A_2, %get3A_3, %get3A_4] : memref<1x1000x1xi32, #tpu.memory_space<vmem>>, vector<1x1000x1xi32>
    %get3A_6 = vector.shape_cast %get3A_5 : vector<1x1000x1xi32> to vector<1000x1xi32>
    %iota3A = tpu.iota {dimensions = array<i32: 1>} : vector<1000x1000xi32>
    %exp3A = math.exp %get3A_1 : vector<1000x1000xf32>
    %reduce_sum3A = arith.constant dense<0.000000e+00> : vector<1000xf32>
    %reduce_sum3A_7 = vector.multi_reduction <add>, %exp3A, %reduce_sum3A [1] : vector<1000x1000xf32> to vector<1000xf32>
    %broadcast_in_dim3A = vector.shape_cast %reduce_sum3A_7 : vector<1000xf32> to vector<1000x1xf32>
    %reduce_max3A = arith.constant dense<0xFF800000> : vector<1000xf32>
    %reduce_max3A_8 = vector.multi_reduction <maximumf>, %get3A_1, %reduce_max3A [1] : vector<1000x1000xf32> to vector<1000xf32>
    %broadcast_in_dim3A_9 = vector.shape_cast %reduce_max3A_8 : vector<1000xf32> to vector<1000x1xf32>
    %eq3A = vector.broadcast %get3A_6 : vector<1000x1xi32> to vector<1000x1000xi32>
    %eq3A_10 = arith.cmpi eq, %iota3A, %eq3A : vector<1000x1000xi32>
    %jit3A = arith.constant -1.000000e+30 : f32
    %broadcast_in_dim3A_11 = vector.broadcast %jit3A : f32 to vector<1000x1000xf32>
    %select_n3A = arith.select %eq3A_10, %get3A_1, %broadcast_in_dim3A_11 : vector<1000x1000xi1>, vector<1000x1000xf32>
    %reduce_max3A_12 = arith.constant dense<0xFF800000> : vector<1000xf32>
    %reduce_max3A_13 = vector.multi_reduction <maximumf>, %select_n3A, %reduce_max3A_12 [1] : vector<1000x1000xf32> to vector<1000xf32>
    %broadcast_in_dim3A_14 = vector.shape_cast %reduce_max3A_13 : vector<1000xf32> to vector<1000x1xf32>
    %exp3A_15 = math.exp %broadcast_in_dim3A_9 : vector<1000x1xf32>
    %div3A = arith.divf %exp3A_15, %broadcast_in_dim3A : vector<1000x1xf32>
    %swap3A = arith.constant 0 : index
    %swap3A_16 = arith.constant 0 : index
    %swap3A_17 = vector.load %arg3[%swap3A, %swap3A_16] : memref<1000x1xf32, #tpu.memory_space<vmem>>, vector<1000x1xf32>
    tpu.vector_store %arg3[%swap3A, %swap3A_16], %div3A {strides = array<i32>} : memref<1000x1xf32, #tpu.memory_space<vmem>>, vector<1000x1xf32>,
    %eq3A_18 = arith.cmpf oeq, %broadcast_in_dim3A_14, %broadcast_in_dim3A_9 : vector<1000x1xf32>
    %convert_element_type3A = arith.extui %eq3A_18 : vector<1000x1xi1> to vector<1000x1xi32>
    %convert_element_type3A_19 = arith.sitofp %convert_element_type3A : vector<1000x1xi32> to vector<1000x1xf32>
    %swap3A_20 = arith.constant 0 : index
    %swap3A_21 = arith.constant 0 : index
    %swap3A_22 = vector.load %arg4[%swap3A_20, %swap3A_21] : memref<1000x1xf32, #tpu.memory_space<vmem>>, vector<1000x1xf32>
    tpu.vector_store %arg4[%swap3A_20, %swap3A_21], %convert_element_type3A_19 {strides = array<i32>} : memref<1000x1xf32, #tpu.memory_space<vmem>>, vector<1000x1xf32>,
    return
  }
  func.func @transform_0(%arg0: i32) -> (i32, i32) {
    %c0_i32 = arith.constant 0 : i32
    %c0_i32_0 = arith.constant 0 : i32
    return %arg0, %c0_i32 : i32, i32
  }
  func.func @transform_1(%arg0: i32) -> (i32, i32, i32) {
    %c0_i32 = arith.constant 0 : i32
    %c0_i32_0 = arith.constant 0 : i32
    %c0_i32_1 = arith.constant 0 : i32
    return %arg0, %c0_i32, %c0_i32_0 : i32, i32, i32
  }
  func.func @transform_2(%arg0: i32) -> (i32, i32) {
    %c0_i32 = arith.constant 0 : i32
    %c0_i32_0 = arith.constant 0 : i32
    return %arg0, %c0_i32 : i32, i32
  }
  func.func @transform_3(%arg0: i32) -> (i32, i32) {
    %c0_i32 = arith.constant 0 : i32
    %c0_i32_0 = arith.constant 0 : i32
    return %arg0, %c0_i32 : i32, i32
  }
}

</mosaic_0001>

<sc_bundles>
// kernel: kernel.4.cloned.1.call-start
scs
__scs_entry_jumppad:
0x0: {  	(pc) =	sbr.rel $0x88, $3  }
0x1: {  	(tag) =	ssettag $0x0;
	lr =	simm.s32 $0x1  }
0x2: {  	[smem:$0x3F9F] =	sst lr;
	_ =	strace $0xD0000000  }
0x3: {  	_ = 	snop  }
0x4: {  	_ = 	snop  }
0x5: {  	_ = 	snop  }
0x6: {  	_ = 	snop  }
0x7: {  	_ = 	snop  }
__scs_overlays_trampoline_lowered:
0x8: {  	[smem:$0x3FAE] =	sst s0  }
0x9: {  	[smem:$0x3FAF] =	sst s1  }
0xa: {  	[smem:$0x3FB0] =	sst s2  }
0xb: {  	[smem:$0x3FB1] =	sst s3  }
0xc: {  	[smem:$0x3FB2] =	sst s4  }
0xd: {  	[smem:$0x3FB3] =	sst s5  }
0xe: {  	[smem:$0x3FB4] =	sst s6  }
0xf: {  	[smem:$0x3FB5] =	sst s7  }
0x10: {  	[smem:$0x3FB6] =	sst s8  }
0x11: {  	[smem:$0x3FB7] =	sst s9;
	s0 =	simm.s32 @!p0 $0x0  }
0x12: {  	s1 =	sld [smem:$0x3F9D];
	s0 =	simm.s32 @p0 $0x1  }
0x13: {  	[smem:$0x3FB8] =	sst s0;
	s0 =	simm.s32 @!p1 $0x0  }
0x14: {  	s2 =	sld [smem:$0x3F9C];
	s0 =	simm.s32 @p1 $0x1  }
0x15: {  	[smem:$0x3FB9] =	sst s0;
	s0 =	simm.s32 @!p2 $0x0  }
0x16: {  	s3 =	sld [smem:$0x3FDB];
	s0 =	simm.s32 @p2 $0x1  }
0x17: {  	s4 =	simm.s32 $0x1BF5;
	[smem:$0x3FBB] =	sst s0  }
0x18: {  	s0 =	sld [smem:$0x3F9E];
	_ =	swait.ge [sflag:s4], $0x0  }
0x19: {  	s7 =	sld [smem:$0x3F9F]  }
0x1a: {  	s8 =	sadd.s32 $0xFFFFE003, lr  }
0x1b: {  	s9 =	sadd.s32 $0xFFFFFEF7, lr;
	s5 =	simm.s32 $0xFFFFFFFF;
	p2 =	slt.u32 s8, $0xFFFFF086  }
0x1c: {  	p1 =	slt.u32 s9, $0xF7A;
	s5 =	simm.s32 @!p2 $0x0  }
0x1d: {  	s5 =	simm.s32 @p1 $0x1;
	p0 =	seq.s32 s7, s2  }
0x1e: {  	s7 =	smul.u32 @!p0 $0xF7A, s2;
	p2 =	seq.s32 @!p0 s5, $0x0  }
0x1f: {  	s9 =	smul.u32 $0xF7A, s1;
	s8 =	simm.s32 @!p0 $0x1BF5;
	p2 =	por !p2, p0  }
0x20: {  	[sflag:s8] =	ssyncset.s32 @!p0 $0xFFFFF086;
	s6 =	sadd.s32 @!p0 s3, s7;
	s7 =	simm.s32 @!p0 $0x108  }
0x21: {  	s3 =	sadd.s32 s3, s9;
	s6 =	sadd.s32 @!p0 $0x88, s6;
	s7 =	simm.s32 @p2 $0x1082  }
0x22: {  	[simem:s7], [sflag:s8] =	dma.local @!p0 [hbm:s6], $0xF7A  }
0x23: {  	s9 =	sor.u32 $0xD0000000, s2;
	s6 =	simm.s32 $0x108;
	_ =	swait.ge @!p0 [sflag:s8], $0x0  }
0x24: {  	s3 =	sadd.s32 $0x88, s3;
	s6 =	simm.s32 @!p1 $0x1082;
	[sflag:s4] =	ssyncset.s32 $0xFFFFF086  }
0x25: {  	[simem:s6], [sflag:s4] =	dma.local [hbm:s3], $0xF7A  }
0x26: {  	[smem:$0x3F9F] =	sst s1;
	(tag) =	ssettag s2;
	_ =	strace s9  }
0x27: {  	s1 =	sld [smem:$0x3FAF]  }
0x28: {  	s2 =	sld [smem:$0x3FB0]  }
0x29: {  	s4 =	sld [smem:$0x3FB2]  }
0x2a: {  	p0 =	seq.s32 s5, $0x0;
	s5 =	sld [smem:$0x3FB3]  }
0x2b: {  	s6 =	sld [smem:$0x3FB4]  }
0x2c: {  	s7 =	sld [smem:$0x3FB5]  }
0x2d: {  	s3 =	simm.s32 $0x108;
	s8 =	sld [smem:$0x3FB6]  }
0x2e: {  	s3 =	simm.s32 @!p0 $0x1082;
	s9 =	sld [smem:$0x3FB7]  }
0x2f: {  	lr =	sadd.s32 s0, s3;
	s0 =	sld [smem:$0x3FAE]  }
0x30: {  	s3 =	sld [smem:$0x3FB1]  }
0x31: {  	[smem:$0x3FBA] =	sst s10  }
0x32: {  	s10 =	sld [smem:$0x3FB8];
	_ =	sdelay $0x3  }
0x33: {  	p0 =	seq.s32 s10, $0x1;
	s10 =	sld [smem:$0x3FBA];
	_ =	sdelay $0x3  }
0x34: {  	[smem:$0x3FBA] =	sst s10  }
0x35: {  	s10 =	sld [smem:$0x3FB9];
	_ =	sdelay $0x3  }
0x36: {  	p1 =	seq.s32 s10, $0x1;
	s10 =	sld [smem:$0x3FBA];
	_ =	sdelay $0x3  }
0x37: {  	[smem:$0x3FBA] =	sst s10  }
0x38: {  	s10 =	sld [smem:$0x3FBB]  }
0x39: {  	_ = 	snop;
	(pc) =	sbr.ind lr, $3  }
0x3a: {  	_ = 	snop  }
0x3b: {  	_ = 	snop  }
0x3c: {  	p2 =	seq.s32 s10, $0x1;
	s10 =	sld [smem:$0x3FBA]  }
0x3d: {  	_ =	shalt  }
0x3e: {  	_ =	shalt  }
0x3f: {  	_ =	shalt  }
0x40: {  	_ =	shalt  }
0x41: {  	_ =	shalt  }
0x42: {  	_ =	shalt  }
0x43: {  	_ =	shalt  }
0x44: {  	_ =	shalt  }
0x45: {  	_ =	shalt  }
0x46: {  	_ =	shalt  }
0x47: {  	_ =	shalt  }
0x48: {  	_ =	shalt  }
0x49: {  	_ =	shalt  }
0x4a: {  	_ =	shalt  }
0x4b: {  	_ =	shalt  }
0x4c: {  	_ =	shalt  }
0x4d: {  	_ =	shalt  }
0x4e: {  	_ =	shalt  }
0x4f: {  	_ =	shalt  }
0x50: {  	_ =	shalt  }
0x51: {  	_ =	shalt  }
0x52: {  	_ =	shalt  }
0x53: {  	_ =	shalt  }
0x54: {  	_ =	shalt  }
0x55: {  	_ =	shalt  }
0x56: {  	_ =	shalt  }
0x57: {  	_ =	shalt  }
0x58: {  	_ =	shalt  }
0x59: {  	_ =	shalt  }
0x5a: {  	_ =	shalt  }
0x5b: {  	_ =	shalt  }
0x5c: {  	_ =	shalt  }
0x5d: {  	_ =	shalt  }
0x5e: {  	_ =	shalt  }
0x5f: {  	_ =	shalt  }
0x60: {  	_ =	shalt  }
0x61: {  	_ =	shalt  }
0x62: {  	_ =	shalt  }
0x63: {  	_ =	shalt  }
0x64: {  	_ =	shalt  }
0x65: {  	_ =	shalt  }
0x66: {  	_ =	shalt  }
0x67: {  	_ =	shalt  }
0x68: {  	_ =	shalt  }
0x69: {  	_ =	shalt  }
0x6a: {  	_ =	shalt  }
0x6b: {  	_ =	shalt  }
0x6c: {  	_ =	shalt  }
0x6d: {  	_ =	shalt  }
0x6e: {  	_ =	shalt  }
0x6f: {  	_ =	shalt  }
0x70: {  	_ =	shalt  }
0x71: {  	_ =	shalt  }
0x72: {  	_ =	shalt  }
0x73: {  	_ =	shalt  }
0x74: {  	_ =	shalt  }
0x75: {  	_ =	shalt  }
0x76: {  	_ =	shalt  }
0x77: {  	_ =	shalt  }
0x78: {  	_ =	shalt  }
0x79: {  	_ =	shalt  }
0x7a: {  	_ =	shalt  }
0x7b: {  	_ =	shalt  }
0x7c: {  	_ =	shalt  }
0x7d: {  	_ =	shalt  }
0x7e: {  	_ =	shalt  }
0x7f: {  	_ =	shalt  }
0x80: {  	_ =	shalt  }
0x81: {  	_ =	shalt  }
0x82: {  	_ =	shalt  }
0x83: {  	_ =	shalt  }
0x84: {  	_ =	shalt  }
0x85: {  	_ =	shalt  }
0x86: {  	_ =	shalt  }
0x87: {  	_ =	shalt  }
.Lfunc_end0:
.L_simem_size_0:
called_computation_lowered:
.L_overlay_start_0:
0x88: {  	s0 =	sld [smem:$0x3FD9]  }
0x89: {  	s1 =	sld [smem:$0x3FFE];
	_ =	sdelay $0x3  }
0x8a: {  	s0 =	sadd.s32 s1, s0  }
0x8b: {  	[smem:$0x3FC6] =	sst s0  }
0x8c: {  	_ = 	snop  }
0x8d: {  	s0 =	sld [smem:$0x3FD0];
	(tm) =	ssettm $0x1  }
0x8e: {  	s16 =	sld [smem:$0x3FFB];
	_ =	sdelay $0x3  }
0x8f: {  	_ =	strace s16  }
0x90: {  	s1 =	sld [smem:$0x3FFC];
	_ =	sdelay $0x3  }
0x91: {  	_ =	strace s1  }
0x92: {  	s1 =	sld [smem:$0x3FFD];
	_ =	sdelay $0x3  }
0x93: {  	_ =	strace s1  }
0x94: {  	_ =	strace $0x8FFFFFFF  }
0x95: {  	s17 =	sld [smem:$0x3FDB];
	_ =	sdelay $0x1  }
0x96: {  	s2 =	simm.s32 $_scs_section_size  }
0x97: {  	s3 =	simm.s32 $_size__tile_overlayer_lowered;
	s4 =	simm.s32 $_tile_overlayer_lowered  }
0x98: {  	s20 =	simm.s32 $0x1BFF;
	s19 =	sshll.u32 s4, $0x1;
	s1 =	sadd.s32 s2, s17  }
0x99: {  	s5 =	simm.s32 $0x0;
	s18 =	sshll.u32 s3, $0x1;
	s3 =	sadd.s32 s19, s1  }
0x9a: {  	[timem:s5], [sflag:s20] =	dma.local [hbm:s3], s18  }
0x9b: {  	_ =	swait.ge [sflag:s20], s18  }
0x9c: {  	s2 =	ssub.s32 $0x0, s18;
	[sflag:s20] =	ssyncset.done $0x0  }
0x9d: {  	[sflag:s20] =	ssyncadd.s32 s2;
	_ =	sdelay $0x1  }
0x9e: {  	s21 =	simm.s32 $0x1B8B  }
0x9f: {  	_ =	swait.ge [sflag:s21], $0x1  }
0xa0: {  	[sflag:s21] =	ssyncset.done $0x0  }
0xa1: {  	s23 =	simm.s32 $0x1B8E;
	s22 =	sld [smem:$0x3FFE];
	[sflag:s21] =	ssyncadd.s32 $0xFFFFFFFF  }
0xa2: {  	s24 =	simm.s32 $execute0_lowered;
	[smem:$0x3FD2] =	sst s23  }
0xa3: {  	s3 =	sshll.u32 s24, $0x1;
	_ =	strace $0x80000046;
	[dreg:$0x1] =	wrdreg $0xFFFFFFFF  }
0xa4: {  	s25 =	simm.s32 $_size_execute0_lowered;
	s1 =	sadd.s32 s1, s3;
	[dreg:$0x0] =	wrdreg $0x0  }
0xa5: {  	s3 =	sshll.u32 s25, $0x1;
	[dreg:$0x2] =	wrdreg s1  }
0xa6: {  	[dreg:$0x3] =	wrdreg s3  }
0xa7: {  	[dreg:$0x4] =	wrdreg $0xC0  }
0xa8: {  	_ =	task [dreg:s5], $0x5FFFF  }
0xa9: {  	[dreg:$0x1] =	wrdreg $0xFFFFFFFF  }
0xaa: {  	[dreg:$0x0] =	wrdreg $0x60  }
0xab: {  	[dreg:$0x2] =	wrdreg s22  }
0xac: {  	[dreg:$0x3] =	wrdreg s0  }
0xad: {  	[dreg:$0x4] =	wrdreg $0x49800  }
0xae: {  	[dreg:$0x5] =	wrdreg $0x9  }
0xaf: {  	_ =	task.clear_ibuf [dreg:s5], $0x6FFFF;
	_ =	strace $0x90000046  }
0xb0: {  	s26 =	simm.s32 $0x9;
	_ =	strace $0x80000048  }
0xb1: {  	_ =	swait.ge [sflag:s26], $0x1  }
0xb2: {  	[sflag:s26] =	ssyncadd.s32 $0xFFFFFFFF  }
0xb3: {  	_ =	strace $0x90000048  }
0xb4: {  	_ =	sfence  }
0xb5: {  	s28 =	sld [smem:$0x0];
	_ =	sdelay $0x1  }
0xb6: {  	s29 =	srdreg.scid  }
0xb7: {  	s30 =	sshll.u32 s29, $0xD;
	s31 =	sshrl.u32 s29, $0x2  }
0xb8: {  	s2 =	sand.u32 $0x4000, s30;
	s1 =	sand.u32 $0x1, s29;
	s0 =	sadd.s32 s31, s28  }
0xb9: {  	s1 =	sor.u32 s2, s1;
	s0 =	sshll.u32 s0, $0x11  }
0xba: {  	s0 =	sor.u32 s0, s1  }
0xbb: {  	s0 =	sadd.s32 $0x8F2B, s0  }
0xbc: {  	[sflag:s0] =	ssyncadd.remote.s32 $0x1  }
0xbd: {  	_ =	sfence.sel $0xFFFF  }
0xbe: {  	[dreg:$0x0] =	wrdreg $0xFFFFFFFF;
	(pc) =	sbr.abs _section_cstart, $3  }
0xbf: {  	[dreg:$0x1] =	wrdreg $0xFFFFFFFF  }
0xc0: {  	_ =	task.clear_ibuf [dreg:s5], $0x2FFFF;
	_ =	strace $0x9FFFFFFF  }
0xc1: {  	(tm) =	ssettm $0x7FFFFFFF  }
tec
execute0_lowered:
.L_overlay_start_1:
0x0: {  	(tag) =	ssettag $0x1  }
0x1: {  	s4 =	rddreg [dreg:$0x0]  }
0x2: {  	s1 =	rddreg [dreg:$0x1];
	s3 =	stileid.u32  }
0x3: {  	s2 =	rddreg [dreg:$0x2];
	s5 =	smul.u32 $0x30E, s3  }
0x4: {  	s0 =	rddreg [dreg:$0x3];
	s6 =	simm.s32 $0x0  }
0x5: {  	[smem:$0x7FF] =	sst s6;
	s4 =	sadd.s32 s4, s5  }
0x6: {  	s30 =	simm.s32 $0x1;
	_ =	strace $0x80000047;
	s5 =	sadd.s32 $0x3200, s4  }
0x7: {  	[tilespmem:s6], [sflag:$0x1] =	stream.linear.gather [hbm4b:s5+s6], $0x1870, $0x38;
	[tilespmem:$0x4A30] =	vst v63  }
0x8: {  	_ =	swait.ge [sflag:s30], $0x1870  }
0x9: {  	[sflag:s30] =	ssyncset.done $0x0  }
0xa: {  	s7 =	simm.s32 $0x1880;
	[sflag:s30] =	ssyncadd.s32 $0xFFFFE790  }
0xb: {  	[tilespmem:s7], [sflag:$0x1] =	stream.linear.gather [hbm4b:s4+s6], $0x1870, $0x38;
	[tilespmem:$0x4A30] =	vst v63  }
0xc: {  	_ =	swait.ge [sflag:s30], $0x1870  }
0xd: {  	[sflag:s30] =	ssyncset.done $0x0  }
0xe: {  	v0 =	vimm.f32 $0.0e+00;
	[sflag:s30] =	ssyncadd.s32 $0xFFFFE790  }
0xf: {  	[tilespmem:$0x3100] =	vst v0  }
0x10: {  	[tilespmem:$0x3900] =	vst v0  }
0x11: {  	[tilespmem:$0x4100] =	vst v0  }
0x12: {  	[tilespmem:$0x3180] =	vst v0  }
0x13: {  	[tilespmem:$0x3980] =	vst v0  }
0x14: {  	[tilespmem:$0x4180] =	vst v0  }
0x15: {  	[tilespmem:$0x3200] =	vst v0  }
0x16: {  	[tilespmem:$0x3A00] =	vst v0  }
0x17: {  	[tilespmem:$0x4200] =	vst v0  }
0x18: {  	[tilespmem:$0x3280] =	vst v0  }
0x19: {  	[tilespmem:$0x3A80] =	vst v0  }
0x1a: {  	[tilespmem:$0x4280] =	vst v0  }
0x1b: {  	[tilespmem:$0x3300] =	vst v0  }
0x1c: {  	[tilespmem:$0x3B00] =	vst v0  }
0x1d: {  	[tilespmem:$0x4300] =	vst v0  }
0x1e: {  	[tilespmem:$0x3380] =	vst v0  }
0x1f: {  	[tilespmem:$0x3B80] =	vst v0  }
0x20: {  	[tilespmem:$0x4380] =	vst v0  }
0x21: {  	[tilespmem:$0x3400] =	vst v0  }
0x22: {  	[tilespmem:$0x3C00] =	vst v0  }
0x23: {  	[tilespmem:$0x4400] =	vst v0  }
0x24: {  	[tilespmem:$0x3480] =	vst v0  }
0x25: {  	[tilespmem:$0x3C80] =	vst v0  }
0x26: {  	[tilespmem:$0x4480] =	vst v0  }
0x27: {  	[tilespmem:$0x3500] =	vst v0  }
0x28: {  	[tilespmem:$0x3D00] =	vst v0  }
0x29: {  	[tilespmem:$0x4500] =	vst v0  }
0x2a: {  	[tilespmem:$0x3580] =	vst v0  }
0x2b: {  	[tilespmem:$0x3D80] =	vst v0  }
0x2c: {  	[tilespmem:$0x4580] =	vst v0  }
0x2d: {  	[tilespmem:$0x3600] =	vst v0  }
0x2e: {  	[tilespmem:$0x3E00] =	vst v0  }
0x2f: {  	[tilespmem:$0x4600] =	vst v0  }
0x30: {  	[tilespmem:$0x3680] =	vst v0  }
0x31: {  	[tilespmem:$0x3E80] =	vst v0  }
0x32: {  	[tilespmem:$0x4680] =	vst v0  }
0x33: {  	[tilespmem:$0x3700] =	vst v0  }
0x34: {  	[tilespmem:$0x3F00] =	vst v0  }
0x35: {  	[tilespmem:$0x4700] =	vst v0  }
0x36: {  	[tilespmem:$0x3780] =	vst v0  }
0x37: {  	[tilespmem:$0x3F80] =	vst v0  }
0x38: {  	[tilespmem:$0x4780] =	vst v0  }
0x39: {  	[tilespmem:$0x3800] =	vst v0  }
0x3a: {  	[tilespmem:$0x4000] =	vst v0  }
0x3b: {  	[tilespmem:$0x4800] =	vst v0  }
0x3c: {  	[tilespmem:$0x3880] =	vst v0  }
0x3d: {  	[tilespmem:$0x4080] =	vst v0  }
0x3e: {  	s31 =	simm.s32 $0x0;
	[tilespmem:$0x4880] =	vst v0  }
0x3f: {  	v2 =	vlaneseq.u32;
	s5 =	simm.s32 $0x3900;
	v3 =	vld [tilespmem:s31+$0x0]  }
0x40: {  	v1 =	vimm.f32 $1.000000000e+00;
	v2 =	vmul.u32 $0x80, v2;
	s4 =	simm.s32 $0x3100;
	s6 =	simm.s32 $0x4100;
	s7 =	simm.s32 $0x40;
	v4 =	vld [tilespmem:s31+$0x1880]  }
.LBB2_1:
0x41: {  	p0 =	sne.s32 s7, $0x6180;
	_ =	sdelay $0x2  }
0x42: {  	vm0 =	vgt.f32 v3, $0.0e+00;
	vm1 =	vgt.f32 v3, $6.666667010e-02  }
0x43: {  	v5 =	vsel vm0, $0x3F800000, v0;
	v6 =	vsel vm1, $0x3F800000, v0  }
0x44: {  	vm0 =	vgt.f32 v3, $1.333333400e-01;
	v5 =	vadd.f32 v6, v5  }
0x45: {  	v6 =	vsel vm0, $0x3F800000, v0  }
0x46: {  	vm0 =	vgt.f32 v3, $2.000000030e-01;
	v5 =	vadd.f32 v5, v6  }
0x47: {  	v6 =	vsel vm0, $0x3F800000, v0  }
0x48: {  	vm0 =	vgt.f32 v3, $2.666666810e-01;
	v5 =	vadd.f32 v5, v6  }
0x49: {  	v6 =	vsel vm0, $0x3F800000, v0  }
0x4a: {  	vm0 =	vgt.f32 v3, $3.333333430e-01;
	v5 =	vadd.f32 v5, v6  }
0x4b: {  	v6 =	vsel vm0, $0x3F800000, v0  }
0x4c: {  	vm0 =	vgt.f32 v3, $4.000000060e-01;
	v5 =	vadd.f32 v5, v6  }
0x4d: {  	v6 =	vsel vm0, $0x3F800000, v0  }
0x4e: {  	vm0 =	vgt.f32 v3, $4.666666690e-01;
	v5 =	vadd.f32 v5, v6  }
0x4f: {  	v6 =	vsel vm0, $0x3F800000, v0  }
0x50: {  	vm0 =	vgt.f32 v3, $5.333333610e-01;
	v5 =	vadd.f32 v5, v6  }
0x51: {  	v6 =	vsel vm0, $0x3F800000, v0  }
0x52: {  	vm0 =	vgt.f32 v3, $6.000000240e-01;
	v5 =	vadd.f32 v5, v6  }
0x53: {  	v6 =	vsel vm0, $0x3F800000, v0  }
0x54: {  	vm0 =	vgt.f32 v3, $6.666666860e-01;
	v5 =	vadd.f32 v5, v6  }
0x55: {  	v6 =	vsel vm0, $0x3F800000, v0  }
0x56: {  	vm0 =	vgt.f32 v3, $7.333333490e-01;
	v5 =	vadd.f32 v5, v6  }
0x57: {  	v6 =	vsel vm0, $0x3F800000, v0  }
0x58: {  	vm0 =	vgt.f32 v3, $8.000000110e-01;
	v5 =	vadd.f32 v5, v6  }
0x59: {  	v6 =	vsel vm0, $0x3F800000, v0  }
0x5a: {  	vm0 =	vgt.f32 v3, $8.666666740e-01;
	v5 =	vadd.f32 v5, v6  }
0x5b: {  	v6 =	vsel vm0, $0x3F800000, v0  }
0x5c: {  	vm0 =	vgt.f32 v3, $9.333333370e-01;
	v5 =	vadd.f32 v5, v6  }
0x5d: {  	v6 =	vsel vm0, $0x3F800000, v0  }
0x5e: {  	v5 =	vadd.f32 v5, v6;
	_ =	sdelay $0x1  }
0x5f: {  	v6 =	vadd.f32 $-1.000000000e+00, v5;
	_ =	sdelay $0x1  }
0x60: {  	v6 =	vmax.f32 v6, $0.0e+00  }
0x61: {  	v6 =	vtrunc.f32 v6  }
0x62: {  	v6 =	vcvt.f32.s32 v6  }
0x63: {  	vm0 =	vgt.f32 v5, $5.000000000e-01  }
0x64: {  	v5 =	vadd.s32 v2, v6;
	_ =	sdelay $0x4  }
.Ltmp0:
0x65: {  	[tilespmem:v5+s4+$0x0] =	vst.idx.add.f32.msk vm0, v1;
	(pc) =	sbr.rel @p0 .LBB2_1-.Ltmp0, $4  }
0x66: {  	[tilespmem:v5+s5+$0x0] =	vst.idx.add.f32.msk vm0, v3  }
0x67: {  	s8 =	sshra.s32 s7, $0x2;
	[tilespmem:v5+s6+$0x0] =	vst.idx.add.f32.msk vm0, v4  }
0x68: {  	v3 =	vld [tilespmem:s8+$0x0]  }
0x69: {  	s7 =	sadd.s32 $0x40, s7;
	v4 =	vld [tilespmem:s8+$0x1880]  }
0x6a: {  	_ =	sdelay $0x2  }
0x6b: {  	vm0 =	vgt.f32 v3, $0.0e+00;
	vm1 =	vgt.f32 v3, $6.666667010e-02  }
0x6c: {  	v5 =	vsel vm0, $0x3F800000, v0;
	v6 =	vsel vm1, $0x3F800000, v0  }
0x6d: {  	vm14 =	vgt.f32 v3, $1.333333400e-01;
	v5 =	vadd.f32 v6, v5  }
0x6e: {  	v21 =	vsel vm14, $0x3F800000, v0  }
0x6f: {  	vm15 =	vgt.f32 v3, $2.000000030e-01;
	v5 =	vadd.f32 v5, v21  }
0x70: {  	v22 =	vsel vm15, $0x3F800000, v0  }
0x71: {  	vm4 =	vgt.f32 v3, $2.666666810e-01;
	v5 =	vadd.f32 v5, v22  }
0x72: {  	v23 =	vsel vm4, $0x3F800000, v0  }
0x73: {  	vm5 =	vgt.f32 v3, $3.333333430e-01;
	v5 =	vadd.f32 v5, v23  }
0x74: {  	v24 =	vsel vm5, $0x3F800000, v0  }
0x75: {  	vm6 =	vgt.f32 v3, $4.000000060e-01;
	v5 =	vadd.f32 v5, v24  }
0x76: {  	v25 =	vsel vm6, $0x3F800000, v0  }
0x77: {  	vm7 =	vgt.f32 v3, $4.666666690e-01;
	v5 =	vadd.f32 v5, v25  }
0x78: {  	v26 =	vsel vm7, $0x3F800000, v0  }
0x79: {  	vm8 =	vgt.f32 v3, $5.333333610e-01;
	v5 =	vadd.f32 v5, v26  }
0x7a: {  	v27 =	vsel vm8, $0x3F800000, v0  }
0x7b: {  	vm9 =	vgt.f32 v3, $6.000000240e-01;
	v5 =	vadd.f32 v5, v27  }
0x7c: {  	v28 =	vsel vm9, $0x3F800000, v0  }
0x7d: {  	vm10 =	vgt.f32 v3, $6.666666860e-01;
	v5 =	vadd.f32 v5, v28  }
0x7e: {  	v29 =	vsel vm10, $0x3F800000, v0  }
0x7f: {  	vm11 =	vgt.f32 v3, $7.333333490e-01;
	v5 =	vadd.f32 v5, v29  }
0x80: {  	v30 =	vsel vm11, $0x3F800000, v0  }
0x81: {  	vm12 =	vgt.f32 v3, $8.000000110e-01;
	v5 =	vadd.f32 v5, v30  }
0x82: {  	v31 =	vsel vm12, $0x3F800000, v0  }
0x83: {  	vm13 =	vgt.f32 v3, $8.666666740e-01;
	v5 =	vadd.f32 v5, v31  }
0x84: {  	v32 =	vsel vm13, $0x3F800000, v0  }
0x85: {  	vm14 =	vgt.f32 v3, $9.333333370e-01;
	v5 =	vadd.f32 v5, v32  }
0x86: {  	v33 =	vsel vm14, $0x3F800000, v0  }
0x87: {  	v0 =	vadd.f32 v5, v33;
	_ =	sdelay $0x1  }
0x88: {  	v5 =	vadd.f32 $-1.000000000e+00, v0;
	_ =	sdelay $0x1  }
0x89: {  	v5 =	vmax.f32 v5, $0.0e+00  }
0x8a: {  	v5 =	vtrunc.f32 v5  }
0x8b: {  	v5 =	vcvt.f32.s32 v5  }
0x8c: {  	vm15 =	vgt.f32 v0, $5.000000000e-01  }
0x8d: {  	v34 =	vadd.s32 v2, v5;
	_ =	sdelay $0x4  }
0x8e: {  	[tilespmem:v34+s4+$0x0] =	vst.idx.add.f32.msk vm15, v1  }
0x8f: {  	[tilespmem:v34+s5+$0x0] =	vst.idx.add.f32.msk vm15, v3  }
0x90: {  	[tilespmem:v34+s6+$0x0] =	vst.idx.add.f32.msk vm15, v4  }
0x91: {  	v0 =	vld [tilespmem:$0x3100]  }
0x92: {  	v1 =	vld [tilespmem:$0x3900]  }
0x93: {  	v35 =	vld [tilespmem:$0x4100]  }
0x94: {  	v3 =	vld [tilespmem:$0x3180]  }
0x95: {  	v4 =	vld [tilespmem:$0x3980]  }
0x96: {  	v36 =	vld [tilespmem:$0x4180]  }
0x97: {  	v37 =	vld [tilespmem:$0x3200]  }
0x98: {  	v7 =	vld [tilespmem:$0x3A00]  }
0x99: {  	v8 =	vld [tilespmem:$0x4200]  }
0x9a: {  	v9 =	vld [tilespmem:$0x3280]  }
0x9b: {  	v10 =	vld [tilespmem:$0x3A80]  }
0x9c: {  	v11 =	vld [tilespmem:$0x4280]  }
0x9d: {  	v12 =	vld [tilespmem:$0x3300]  }
0x9e: {  	v13 =	vld [tilespmem:$0x3B00]  }
0x9f: {  	v14 =	vld [tilespmem:$0x4300]  }
0xa0: {  	v15 =	vld [tilespmem:$0x3380]  }
0xa1: {  	v16 =	vld [tilespmem:$0x3B80]  }
0xa2: {  	v17 =	vld [tilespmem:$0x4380]  }
0xa3: {  	v18 =	vld [tilespmem:$0x3400]  }
0xa4: {  	v19 =	vld [tilespmem:$0x3C00]  }
0xa5: {  	v20 =	vld [tilespmem:$0x4400];
	v0 =	vadd.f32 $0.0e+00, v0  }
0xa6: {  	v21 =	vld [tilespmem:$0x3480];
	v1 =	vadd.f32 $0.0e+00, v1  }
0xa7: {  	v38 =	vld [tilespmem:$0x3C80];
	v2 =	vadd.f32 $0.0e+00, v35;
	v0 =	vadd.f32 v3, v0  }
0xa8: {  	v39 =	vld [tilespmem:$0x4480];
	v1 =	vadd.f32 v4, v1  }
0xa9: {  	v40 =	vld [tilespmem:$0x3500];
	v2 =	vadd.f32 v36, v2;
	v0 =	vadd.f32 v37, v0  }
0xaa: {  	v41 =	vld [tilespmem:$0x3D00];
	v1 =	vadd.f32 v7, v1  }
0xab: {  	v42 =	vld [tilespmem:$0x4500];
	v2 =	vadd.f32 v8, v2;
	v0 =	vadd.f32 v9, v0  }
0xac: {  	v43 =	vld [tilespmem:$0x3580];
	v1 =	vadd.f32 v10, v1  }
0xad: {  	v44 =	vld [tilespmem:$0x3D80];
	v2 =	vadd.f32 v11, v2;
	v0 =	vadd.f32 v12, v0  }
0xae: {  	v45 =	vld [tilespmem:$0x4580];
	v1 =	vadd.f32 v13, v1  }
0xaf: {  	v46 =	vld [tilespmem:$0x3600];
	v2 =	vadd.f32 v14, v2;
	v0 =	vadd.f32 v15, v0  }
0xb0: {  	v47 =	vld [tilespmem:$0x3E00];
	v1 =	vadd.f32 v16, v1  }
0xb1: {  	v48 =	vld [tilespmem:$0x4600];
	v2 =	vadd.f32 v17, v2;
	v0 =	vadd.f32 v18, v0  }
0xb2: {  	v49 =	vld [tilespmem:$0x3680];
	v1 =	vadd.f32 v19, v1  }
0xb3: {  	v50 =	vld [tilespmem:$0x3E80];
	v2 =	vadd.f32 v20, v2;
	v0 =	vadd.f32 v21, v0  }
0xb4: {  	v51 =	vld [tilespmem:$0x4680];
	v1 =	vadd.f32 v38, v1  }
0xb5: {  	v52 =	vld [tilespmem:$0x3700];
	v2 =	vadd.f32 v39, v2;
	v0 =	vadd.f32 v40, v0  }
0xb6: {  	v53 =	vld [tilespmem:$0x3F00];
	v1 =	vadd.f32 v41, v1  }
0xb7: {  	v54 =	vld [tilespmem:$0x4700];
	v2 =	vadd.f32 v42, v2;
	v0 =	vadd.f32 v43, v0  }
0xb8: {  	v55 =	vld [tilespmem:$0x3780];
	v1 =	vadd.f32 v44, v1  }
0xb9: {  	v56 =	vld [tilespmem:$0x3F80];
	v2 =	vadd.f32 v45, v2;
	v0 =	vadd.f32 v46, v0  }
0xba: {  	v57 =	vld [tilespmem:$0x4780];
	v1 =	vadd.f32 v47, v1  }
0xbb: {  	v58 =	vld [tilespmem:$0x3800];
	v2 =	vadd.f32 v48, v2;
	v0 =	vadd.f32 v49, v0  }
0xbc: {  	v59 =	vld [tilespmem:$0x4000];
	v1 =	vadd.f32 v50, v1  }
0xbd: {  	v60 =	vld [tilespmem:$0x4800];
	v2 =	vadd.f32 v51, v2;
	v0 =	vadd.f32 v52, v0  }
0xbe: {  	v61 =	vld [tilespmem:$0x3880];
	v1 =	vadd.f32 v53, v1  }
0xbf: {  	v62 =	vld [tilespmem:$0x4080];
	v2 =	vadd.f32 v54, v2;
	v0 =	vadd.f32 v55, v0  }
0xc0: {  	v63 =	vld [tilespmem:$0x4880];
	v1 =	vadd.f32 v56, v1  }
0xc1: {  	v2 =	vadd.f32 v57, v2;
	v0 =	vadd.f32 v58, v0  }
0xc2: {  	v1 =	vadd.f32 v59, v1  }
0xc3: {  	v2 =	vadd.f32 v60, v2;
	v0 =	vadd.f32 v61, v0  }
0xc4: {  	v1 =	vadd.f32 v62, v1  }
0xc5: {  	v2 =	vadd.f32 v63, v2;
	[tilespmem:$0x4900] =	vst v0  }
0xc6: {  	s31 =	sshll.u32 s3, $0x7;
	[tilespmem:$0x4910] =	vst v1  }
0xc7: {  	s4 =	sadd.s32 s31, s2;
	s5 =	simm.s32 $0x4900;
	[tilespmem:$0x4920] =	vst v2  }
0xc8: {  	[spmem:s4] =	stream.linear.scatter [tilespmem:s5], [sflag:$0x1], $0x80, $0x38;
	[tilespmem:$0x4A30] =	vst v63  }
0xc9: {  	s4 =	simm.s32 $0x1  }
0xca: {  	_ =	swait.ge [sflag:s4], $0x80  }
0xcb: {  	[sflag:s4] =	ssyncset.done $0x0  }
0xcc: {  	[sflag:s4] =	ssyncadd.s32 $0xFFFFFF80  }
0xcd: {  	p0 =	sne.s32 s3, $0x0;
	[bflag:$0x0] =	sbarrier.arrive $0xFFFF  }
0xce: {  	_ =	sfence.sel @p0 $0x180000  }
0xcf: {  	[bflag:$0x0] =	sbarrier.arrive @p0 $0xFFFF  }
0xd0: {  	_ =	strace @p0 $0x90000047  }
0xd1: {  	[bflag:$0x2] =	sbarrier.arrive @p0 $0xFFFF  }
0xd2: {  	_ =	shalt @p0  }
.LBB2_3:
0xd3: {  	[tilespmem:s5], [sflag:$0x1] =	stream.linear.gather [spmem:s2], $0x80, $0x38;
	[tilespmem:$0x4A30] =	vst v63  }
0xd4: {  	_ =	swait.ge [sflag:s4], $0x80  }
0xd5: {  	[sflag:s4] =	ssyncset.done $0x0  }
0xd6: {  	[sflag:s4] =	ssyncadd.s32 $0xFFFFFF80  }
0xd7: {  	v0 =	vld [tilespmem:$0x4900]  }
0xd8: {  	s3 =	sadd.s32 $0x80, s2;
	v1 =	vld [tilespmem:$0x4910]  }
0xd9: {  	v2 =	vld [tilespmem:$0x4920];
	[tilespmem:s5], [sflag:$0x1] =	stream.linear.gather [spmem:s3], $0x80, $0x38  }
0xda: {  	_ =	swait.ge [sflag:s4], $0x80  }
0xdb: {  	[sflag:s4] =	ssyncset.done $0x0  }
0xdc: {  	[sflag:s4] =	ssyncadd.s32 $0xFFFFFF80  }
0xdd: {  	v3 =	vld [tilespmem:$0x4900]  }
0xde: {  	s15 =	sadd.s32 $0x100, s2;
	v4 =	vld [tilespmem:$0x4910]  }
0xdf: {  	v5 =	vld [tilespmem:$0x4920];
	[tilespmem:s5], [sflag:$0x1] =	stream.linear.gather [spmem:s15], $0x80, $0x38  }
0xe0: {  	_ =	swait.ge [sflag:s4], $0x80  }
0xe1: {  	[sflag:s4] =	ssyncset.done $0x0  }
0xe2: {  	[sflag:s4] =	ssyncadd.s32 $0xFFFFFF80  }
0xe3: {  	v6 =	vld [tilespmem:$0x4900]  }
0xe4: {  	s16 =	sadd.s32 $0x180, s2;
	v7 =	vld [tilespmem:$0x4910]  }
0xe5: {  	v8 =	vld [tilespmem:$0x4920];
	[tilespmem:s5], [sflag:$0x1] =	stream.linear.gather [spmem:s16], $0x80, $0x38  }
0xe6: {  	_ =	swait.ge [sflag:s4], $0x80  }
0xe7: {  	[sflag:s4] =	ssyncset.done $0x0  }
0xe8: {  	[sflag:s4] =	ssyncadd.s32 $0xFFFFFF80  }
0xe9: {  	v9 =	vld [tilespmem:$0x4900]  }
0xea: {  	s17 =	sadd.s32 $0x200, s2;
	v10 =	vld [tilespmem:$0x4910]  }
0xeb: {  	v11 =	vld [tilespmem:$0x4920];
	[tilespmem:s5], [sflag:$0x1] =	stream.linear.gather [spmem:s17], $0x80, $0x38  }
0xec: {  	_ =	swait.ge [sflag:s4], $0x80  }
0xed: {  	[sflag:s4] =	ssyncset.done $0x0  }
0xee: {  	[sflag:s4] =	ssyncadd.s32 $0xFFFFFF80  }
0xef: {  	v12 =	vld [tilespmem:$0x4900]  }
0xf0: {  	s18 =	sadd.s32 $0x280, s2;
	v13 =	vld [tilespmem:$0x4910]  }
0xf1: {  	v14 =	vld [tilespmem:$0x4920];
	[tilespmem:s5], [sflag:$0x1] =	stream.linear.gather [spmem:s18], $0x80, $0x38  }
0xf2: {  	_ =	swait.ge [sflag:s4], $0x80  }
0xf3: {  	[sflag:s4] =	ssyncset.done $0x0  }
0xf4: {  	[sflag:s4] =	ssyncadd.s32 $0xFFFFFF80  }
0xf5: {  	v15 =	vld [tilespmem:$0x4900]  }
0xf6: {  	s19 =	sadd.s32 $0x300, s2;
	v16 =	vld [tilespmem:$0x4910]  }
0xf7: {  	v17 =	vld [tilespmem:$0x4920];
	[tilespmem:s5], [sflag:$0x1] =	stream.linear.gather [spmem:s19], $0x80, $0x38  }
0xf8: {  	_ =	swait.ge [sflag:s4], $0x80  }
0xf9: {  	[sflag:s4] =	ssyncset.done $0x0  }
0xfa: {  	[sflag:s4] =	ssyncadd.s32 $0xFFFFFF80  }
0xfb: {  	v18 =	vld [tilespmem:$0x4900]  }
0xfc: {  	s20 =	sadd.s32 $0x380, s2;
	v19 =	vld [tilespmem:$0x4910]  }
0xfd: {  	v20 =	vld [tilespmem:$0x4920];
	[tilespmem:s5], [sflag:$0x1] =	stream.linear.gather [spmem:s20], $0x80, $0x38  }
0xfe: {  	_ =	swait.ge [sflag:s4], $0x80  }
0xff: {  	[sflag:s4] =	ssyncset.done $0x0  }
0x100: {  	[sflag:s4] =	ssyncadd.s32 $0xFFFFFF80  }
0x101: {  	v21 =	vld [tilespmem:$0x4900]  }
0x102: {  	s21 =	sadd.s32 $0x400, s2;
	v22 =	vld [tilespmem:$0x4910]  }
0x103: {  	v23 =	vld [tilespmem:$0x4920];
	[tilespmem:s5], [sflag:$0x1] =	stream.linear.gather [spmem:s21], $0x80, $0x38  }
0x104: {  	_ =	swait.ge [sflag:s4], $0x80  }
0x105: {  	[sflag:s4] =	ssyncset.done $0x0  }
0x106: {  	[sflag:s4] =	ssyncadd.s32 $0xFFFFFF80  }
0x107: {  	v24 =	vld [tilespmem:$0x4900]  }
0x108: {  	s22 =	sadd.s32 $0x480, s2;
	v25 =	vld [tilespmem:$0x4910]  }
0x109: {  	v26 =	vld [tilespmem:$0x4920];
	[tilespmem:s5], [sflag:$0x1] =	stream.linear.gather [spmem:s22], $0x80, $0x38  }
0x10a: {  	_ =	swait.ge [sflag:s4], $0x80  }
0x10b: {  	[sflag:s4] =	ssyncset.done $0x0  }
0x10c: {  	[sflag:s4] =	ssyncadd.s32 $0xFFFFFF80  }
0x10d: {  	v27 =	vld [tilespmem:$0x4900]  }
0x10e: {  	s23 =	sadd.s32 $0x500, s2;
	v28 =	vld [tilespmem:$0x4910]  }
0x10f: {  	v29 =	vld [tilespmem:$0x4920];
	[tilespmem:s5], [sflag:$0x1] =	stream.linear.gather [spmem:s23], $0x80, $0x38  }
0x110: {  	_ =	swait.ge [sflag:s4], $0x80  }
0x111: {  	[sflag:s4] =	ssyncset.done $0x0  }
0x112: {  	[sflag:s4] =	ssyncadd.s32 $0xFFFFFF80  }
0x113: {  	v30 =	vld [tilespmem:$0x4900]  }
0x114: {  	s24 =	sadd.s32 $0x580, s2;
	v31 =	vld [tilespmem:$0x4910]  }
0x115: {  	v32 =	vld [tilespmem:$0x4920];
	[tilespmem:s5], [sflag:$0x1] =	stream.linear.gather [spmem:s24], $0x80, $0x38  }
0x116: {  	_ =	swait.ge [sflag:s4], $0x80  }
0x117: {  	[sflag:s4] =	ssyncset.done $0x0  }
0x118: {  	v0 =	vadd.f32 $0.0e+00, v0;
	[sflag:s4] =	ssyncadd.s32 $0xFFFFFF80  }
0x119: {  	v33 =	vld [tilespmem:$0x4900]  }
0x11a: {  	s25 =	sadd.s32 $0x600, s2;
	v0 =	vadd.f32 v3, v0;
	v34 =	vld [tilespmem:$0x4910]  }
0x11b: {  	v35 =	vld [tilespmem:$0x4920];
	[tilespmem:s5], [sflag:$0x1] =	stream.linear.gather [spmem:s25], $0x80, $0x38  }
0x11c: {  	v0 =	vadd.f32 v6, v0;
	_ =	swait.ge [sflag:s4], $0x80  }
0x11d: {  	[sflag:s4] =	ssyncset.done $0x0  }
0x11e: {  	v0 =	vadd.f32 v9, v0;
	[sflag:s4] =	ssyncadd.s32 $0xFFFFFF80  }
0x11f: {  	v50 =	vld [tilespmem:$0x4900]  }
0x120: {  	s26 =	sadd.s32 $0x680, s2;
	v0 =	vadd.f32 v12, v0;
	v51 =	vld [tilespmem:$0x4910]  }
0x121: {  	v52 =	vld [tilespmem:$0x4920];
	[tilespmem:s5], [sflag:$0x1] =	stream.linear.gather [spmem:s26], $0x80, $0x38  }
0x122: {  	v0 =	vadd.f32 v15, v0;
	_ =	swait.ge [sflag:s4], $0x80  }
0x123: {  	v1 =	vadd.f32 $0.0e+00, v1;
	v2 =	vadd.f32 $0.0e+00, v2;
	[sflag:s4] =	ssyncset.done $0x0  }
0x124: {  	v0 =	vadd.f32 v18, v0;
	[sflag:s4] =	ssyncadd.s32 $0xFFFFFF80  }
0x125: {  	v1 =	vadd.f32 v4, v1;
	v2 =	vadd.f32 v5, v2;
	v53 =	vld [tilespmem:$0x4900]  }
0x126: {  	s28 =	sadd.s32 $0x700, s2;
	v0 =	vadd.f32 v21, v0;
	v54 =	vld [tilespmem:$0x4910]  }
0x127: {  	v1 =	vadd.f32 v7, v1;
	v2 =	vadd.f32 v8, v2;
	v55 =	vld [tilespmem:$0x4920];
	[tilespmem:s5], [sflag:$0x1] =	stream.linear.gather [spmem:s28], $0x80, $0x38  }
0x128: {  	v0 =	vadd.f32 v24, v0;
	_ =	swait.ge [sflag:s4], $0x80  }
0x129: {  	v1 =	vadd.f32 v10, v1;
	v2 =	vadd.f32 v11, v2;
	[sflag:s4] =	ssyncset.done $0x0  }
0x12a: {  	v0 =	vadd.f32 v27, v0;
	[sflag:s4] =	ssyncadd.s32 $0xFFFFFF80  }
0x12b: {  	v1 =	vadd.f32 v13, v1;
	v2 =	vadd.f32 v14, v2;
	v56 =	vld [tilespmem:$0x4900]  }
0x12c: {  	s29 =	sadd.s32 $0x780, s2;
	v0 =	vadd.f32 v30, v0;
	v57 =	vld [tilespmem:$0x4910]  }
0x12d: {  	v1 =	vadd.f32 v16, v1;
	v2 =	vadd.f32 v17, v2;
	v58 =	vld [tilespmem:$0x4920];
	[tilespmem:s5], [sflag:$0x1] =	stream.linear.gather [spmem:s29], $0x80, $0x38  }
0x12e: {  	v0 =	vadd.f32 v33, v0;
	_ =	swait.ge [sflag:s4], $0x80  }
0x12f: {  	v1 =	vadd.f32 v19, v1;
	v2 =	vadd.f32 v20, v2;
	[sflag:s4] =	ssyncset.done $0x0  }
0x130: {  	v0 =	vadd.f32 v50, v0;
	[sflag:s4] =	ssyncadd.s32 $0xFFFFFF80  }
0x131: {  	v1 =	vadd.f32 v22, v1;
	v2 =	vadd.f32 v23, v2;
	v59 =	vld [tilespmem:$0x4900]  }
0x132: {  	v0 =	vadd.f32 v53, v0  }
0x133: {  	v1 =	vadd.f32 v25, v1;
	v2 =	vadd.f32 v26, v2  }
0x134: {  	v0 =	vadd.f32 v56, v0  }
0x135: {  	v1 =	vadd.f32 v28, v1;
	v2 =	vadd.f32 v29, v2  }
0x136: {  	v0 =	vadd.f32 v59, v0  }
0x137: {  	v1 =	vadd.f32 v31, v1;
	v2 =	vadd.f32 v32, v2  }
0x138: {  	v3 =	vmax.f32 v0, $1.000000000e+00  }
0x139: {  	v1 =	vadd.f32 v34, v1;
	v2 =	vadd.f32 v35, v2;
	(erf) = vrcp.f32 v3;
	_ =	sdelay $0x1  }
0x13a: {  	v1 =	vadd.f32 v51, v1;
	v2 =	vadd.f32 v52, v2;
	v60 =	vld [tilespmem:$0x4910]  }
0x13b: {  	v61 =	vld [tilespmem:$0x4920]  }
0x13c: {  	v1 =	vadd.f32 v54, v1;
	v2 =	vadd.f32 v55, v2;
	_ =	sdelay $0x1  }
0x13d: {  	v1 =	vadd.f32 v57, v1;
	v2 =	vadd.f32 v58, v2;
	_ =	sdelay $0x1  }
0x13e: {  	v1 =	vadd.f32 v60, v1;
	v2 =	vadd.f32 v61, v2  }
0x13f: {  	v62 =	vpop (erf)  }
0x140: {  	v1 =	vmul.f32 v62, v1;
	v2 =	vmul.f32 v62, v2;
	_ =	sdelay $0x1  }
0x141: {  	v1 =	vsub.f32 v1, v2  }
0x142: {  	v63 =	vmul.f32 $9.999999740e-06, v0  }
0x143: {  	v1 =	vand.u32 $0x7FFFFFFF, v1  }
0x144: {  	v1 =	vmul.f32 v1, v63  }
0x145: {  	vm0 =	vgt.f32 v0, $0.0e+00  }
0x146: {  	v0 =	vnsel vm0, $0x0, v1  }
0x147: {  	(xrf2) =	vadd.scan.msk.f32 $0xffff, v0;
	_ =	sdelay $0x9  }
0x148: {  	v0, _, _ =	vpop (xrf2)  }
0x149: {  	v0 =	vbroadcast v0, $0xF  }
0x14a: {  	vm15 =	vmmov $0x1  }
0x14b: {  	v0 =	vnsel vm15, $0x0, v0  }
0x14c: {  	s30 =	simm.s32 $0x0;
	s31 =	simm.s32 $0x49B0;
	[tilespmem:$0x49B0] =	vst v0  }
0x14d: {  	[hbm4b:s1+s30] =	stream.linear.scatter [tilespmem:s31], [sflag:$0x1], $0x80, $0x38;
	[tilespmem:$0x4A30] =	vst v63  }
0x14e: {  	_ =	swait.ge [sflag:s4], $0x80  }
0x14f: {  	[sflag:s4] =	ssyncset.done $0x0  }
0x150: {  	[sflag:s4] =	ssyncadd.s32 $0xFFFFFF80  }
0x151: {  	_ =	sfence.sel $0x180000  }
0x152: {  	[bflag:$0x0] =	sbarrier.arrive $0xFFFF  }
0x153: {  	_ =	strace $0x90000047  }
0x154: {  	s0 =	sadd.s32 $0x100000, s0;
	[bflag:$0x2] =	sbarrier.arrive $0xFFFF  }
0x155: {  	[sflag:s0] =	ssyncadd.tile.s32 $0x1;
	_ =	shalt  }
.Lfunc_end2:
_tile_overlayer_lowered:
.L_overlay_start_2:
0x156: {  	(tag) =	ssettag $0x2  }
0x157: {  	s0 =	rddreg [dreg:$0x0];
	s2 =	stileid.u32  }
0x158: {  	s1 =	rddreg [dreg:$0x1];
	p0 =	sne.s32 s2, $0x0  }
0x159: {  	s3 =	rddreg [dreg:$0x2];
	[bflag:$0x3] =	sbarrier.arrive $0xFFFF;
	s2 =	simm.s32 @!p0 $0x1C01  }
0x15a: {  	[timem:s3], [sflag:s2] =	dma.local @!p0 [hbm:s0], s1  }
0x15b: {  	s0 =	simm.s32 @!p0 $0x1  }
0x15c: {  	_ =	swait.ge @!p0 [sflag:s0], s1  }
0x15d: {  	s1 =	ssub.s32 @!p0 $0x0, s1;
	[sflag:s0] =	ssyncset.done @!p0 $0x0  }
0x15e: {  	[sflag:s0] =	ssyncadd.s32 @!p0 s1  }
0x15f: {  	[bflag:$0x3] =	sbarrier.arrive $0xFFFF  }
0x160: {  	_ =	shalt  }

</sc_bundles>
